<compile_context>
chip_gen: v7x
topology: tpu7x:2x2x1
jax: 0.10.2.dev20260603
libtpu: 0.0.44.dev20260713+nightly
codegen_flags: <defaults>
</compile_context>

<pallas_src>
import dataclasses

import jax
import jax.numpy as jnp
from jax import lax
from jax.experimental import pallas as pl
from jax.experimental.pallas import tpu as pltpu
from jax.experimental.pallas import tpu_sc as plsc

B = 128
A = 100
N = B * A
P = 4
T = 4
NP = N * P
LW = P * A * 3
SW = A * 3
NTILES = 32
RPT = NP // NTILES
EPT = RPT * 3
ACC = 4 * A * 3
L = 16


def _dense_body(pc_ref, fr_ref, sh_ref, sig_ref, out_ref):
    frv = fr_ref[...]
    sig = sig_ref[...]
    inv2 = 0.5 / (sig * sig)
    invs2 = inv2 + inv2

    lane_c = lax.broadcasted_iota(jnp.int32, (B, SW), 1) % 3
    m0 = lane_c == 0
    m1 = lane_c == 1

    inv2b = inv2 * jnp.ones((B, LW), jnp.float32)
    jjb = {1: inv2b, 4: inv2b * 4.0, 9: inv2b * 9.0}
    invs2b = inv2b + inv2b

    scores = []
    cols = []
    for t in range(T):
        xs = []
        for p in range(P):
            co = 3 * p
            s0 = sh_ref[t][:, co:co + 1]
            s1 = sh_ref[t][:, co + 1:co + 2]
            s2 = sh_ref[t][:, co + 2:co + 3]
            shb = jnp.where(m0, s0, jnp.where(m1, s1, s2))
            xp = pc_ref[:, p * SW:(p + 1) * SW] + shb
            xs.append(frv - (xp - jnp.floor(xp)))
        x = jnp.concatenate(xs, axis=1)
        r = x - jnp.round(x)
        u = r * inv2b
        a = u + u
        S = jnp.ones_like(x)
        M = r
        for j in (1, 2, 3, -1, -2, -3):
            e = jnp.exp(float(j) * a - jjb[j * j])
            S = S + e
            M = M + e * (r - float(j))
        logp = jnp.log(S) - r * u
        scores.append(-(M / S) * invs2b)
        for p in range(P):
            cols.append(jnp.sum(logp[:, p * SW:(p + 1) * SW],
                                axis=1, keepdims=True))
    hyp = jnp.concatenate(cols, axis=1)
    m = jnp.max(hyp, axis=1, keepdims=True)
    ew = jnp.exp(hyp - m)
    w = ew / jnp.sum(ew, axis=1, keepdims=True)
    for p in range(P):
        sl = slice(p * SW, (p + 1) * SW)
        accp = w[:, p:p + 1] * scores[0][:, sl]
        for t in range(1, T):
            c = t * P + p
            accp = accp + w[:, c:c + 1] * scores[t][:, sl]
        out_ref[:, p * SW:(p + 1) * SW] = accp


def _dense(pc, fr, sh, sig):
    return pl.pallas_call(
        _dense_body,
        out_shape=jax.ShapeDtypeStruct((B, LW), jnp.float32),
    )(pc, fr, sh, sig)


def _scatter_add(tar_flat, helper):
    mesh = plsc.VectorSubcoreMesh(core_axis_name="c", subcore_axis_name="s")
    cp = pltpu.CompilerParams()
    if "needs_layout_passes" in pltpu.CompilerParams.__dataclass_fields__:
        cp = dataclasses.replace(cp, needs_layout_passes=False)

    @pl.kernel(
        out_type=jax.ShapeDtypeStruct((N * 3,), jnp.float32),
        mesh=mesh,
        compiler_params=cp,
        scratch_types=[
            pltpu.VMEM((EPT,), jnp.float32),
            pltpu.VMEM((RPT,), jnp.int32),
            pltpu.VMEM((ACC,), jnp.float32),
            pltpu.SemaphoreType.DMA,
            pltpu.SemaphoreType.DMA,
        ],
    )
    def k(tar_hbm, hlp_hbm, out_hbm, data_v, hlp_v, acc_v, dsem, hsem):
        s = lax.axis_index("s")
        wid = lax.axis_index("c") * 16 + s
        ddma = pltpu.async_copy(tar_hbm.at[pl.ds(wid * EPT, EPT)], data_v,
                                dsem)
        hdma = pltpu.async_copy(hlp_hbm.at[pl.ds(wid * RPT, RPT)], hlp_v,
                                hsem)

        z = jnp.zeros((L,), jnp.float32)

        @pl.loop(0, ACC // L)
        def _(i):
            acc_v[pl.ds(i * L, L)] = z

        hdma.wait()
        ddma.wait()

        lane = lax.broadcasted_iota(jnp.int32, (L,), 0)
        qrel = []
        cvec = []
        for u in range(3):
            le = u * L + lane
            q = le // 3
            qrel.append(q)
            cvec.append(le - (q + q + q))

        @pl.loop(0, EPT // (3 * L))
        def _(g):
            r0 = g * L
            for u in range(3):
                qv = qrel[u] + r0
                h = plsc.load_gather(hlp_v, [qv])
                tgt = (qv // 400) * SW + (h + h + h) + cvec[u]
                val = data_v[pl.ds(g * 3 * L + u * L, L)]
                plsc.addupdate_scatter(acc_v, [tgt], val)

        pltpu.sync_copy(acc_v, out_hbm.at[pl.ds(wid * ACC, ACC)])

    return k(tar_flat, helper)


def kernel(frac_coords_t, permuted_frac_coords, sigmas, random_shifts,
           helper_permuted_indices):
    pc = permuted_frac_coords.reshape(B, LW)
    fr = frac_coords_t.reshape(B, SW)
    sh = random_shifts.reshape(T, B, P * 3)
    sig = sigmas.reshape(B, 1)

    tar = _dense(pc, fr, sh, sig)

    out_flat = _scatter_add(tar.reshape(NP * 3),
                            helper_permuted_indices.reshape(NP))
    return out_flat.reshape(N, 3)

# --- scband reference (transcript-rebuilt; emitter-appended) ---
"""Pipeline reference for scband-tgdiffusion-46359876993479 (READ-ONLY COPY).

The authoritative reference and input builder live on the scoring server;
editing this copy changes nothing except your own understanding.
"""

import jax, jax.numpy as jnp
import numpy as np

B = 128   # graphs
A = 100   # atoms per graph (max_atoms)
N = B * A # total atoms = 12800
P = 4     # num_permutations
T = 4     # num_trans (random lattice translations)
NP = N * P


def setup_inputs(seed: int = 0) -> dict:
    key = jax.random.key(seed)
    k1, k2, k3, k4, k5 = jax.random.split(key, 5)
    return {
        "frac_coords_t": jax.random.uniform(k1, (N, 3), dtype=jnp.float32),
        "permuted_frac_coords": jax.random.uniform(k2, (NP, 3), dtype=jnp.float32),
        # SigmaScheduler(sigma_begin=0.005, sigma_end=0.5) range
        "sigmas": 0.005 + 0.495 * jax.random.uniform(k3, (B,), dtype=jnp.float32),
        "random_shifts": jax.random.uniform(k4, (T, B * P, 3), dtype=jnp.float32),
        "helper_permuted_indices": jax.random.randint(k5, (NP,), 0, A, dtype=jnp.int32),
    }


def _target_score(frac_coords_t, permuted_frac_coords, sigmas, random_shifts, helper_permuted_indices):
    Nn = frac_coords_t.shape[0]
    Bb = sigmas.shape[0]
    Aa = Nn // Bb
    NPp = permuted_frac_coords.shape[0]
    Pp = NPp // Nn
    Tt = random_shifts.shape[0]

    # repeated_batch: segment id (graph*P + perm) per repeated atom, layout [graph, perm, atom]
    repeated_batch = jnp.repeat(jnp.arange(Bb * Pp), Aa)  # [NP]

    # expanded_shifts = random_shifts[:, repeated_batch]  (gather)
    expanded_shifts = random_shifts[:, repeated_batch]  # [T, NP, 3]
    all_permuted = (permuted_frac_coords[None] + expanded_shifts + 1.0) % 1.0  # [T, NP, 3]

    # repeated_frac_coords_t = frac_coords_t[repeated_sample_offset_full] (gather, tile per permutation)
    atom_idx = jnp.broadcast_to((jnp.arange(Bb) * Aa)[:, None, None] + jnp.arange(Aa)[None, None, :], (Bb, Pp, Aa)).reshape(-1)
    repeated_frac = frac_coords_t[atom_idx]  # [NP, 3]

    rep_sig = jnp.repeat(sigmas, Pp * Aa)[:, None]  # [NP, 1]

    x = repeated_frac[None] - all_permuted  # [T, NP, 3]

    # _compute_log_p_and_d_log_p
    k = jnp.arange(-10, 11, dtype=jnp.float32).reshape(-1, 1, 1, 1)  # [21,1,1,1]
    logits = -(x[None] - k) ** 2 / 2.0 / rep_sig ** 2  # [21, T, NP, 3]
    log_p = jax.nn.logsumexp(logits, axis=0)  # [T, NP, 3]

    # scatter(log_p, batch, dim=-2, reduce='sum') -> segment_sum over atoms per (graph, perm)
    lp = jnp.moveaxis(log_p, 1, 0)  # [NP, T, 3]
    seg = jax.ops.segment_sum(lp, repeated_batch, num_segments=Bb * Pp)  # [B*P, T, 3]
    lpg = jnp.moveaxis(seg, 0, 1).sum(-1)  # [T, B*P]

    # d_log_p_wrapped_normal_stable: score = sum_k softmax_k(logits) * (-(x-k)/sigma^2)
    w_k = jax.nn.softmax(logits, axis=0)
    score = (w_k * (-(x[None] - k) / rep_sig ** 2)).sum(0)  # [T, NP, 3]

    # per-graph softmax over (num_trans x num_permutations) hypotheses (temperature=1.0, z=None)
    flat = lpg.reshape(Tt, Bb, Pp).transpose(1, 0, 2).reshape(Bb, Tt * Pp)  # [B, T*P]
    sm = jax.nn.softmax(flat, axis=-1)
    weights = sm.reshape(Bb, Tt, Pp).transpose(1, 0, 2).reshape(Tt, Bb * Pp)  # [T, B*P]

    wg = weights[:, repeated_batch]  # gather -> [T, NP]
    repeated_tar_x = (wg[..., None] * score).sum(0)  # [NP, 3]

    # node_batch = per-graph base offset + helper_permuted_indices; scatter-add back to original atoms
    node_batch = jnp.repeat(jnp.arange(Bb) * Aa, Pp * Aa) + helper_permuted_indices.astype(jnp.int32)  # [NP]
    tar_score_x = jax.ops.segment_sum(repeated_tar_x, node_batch, num_segments=Nn)  # [N, 3]
    return tar_score_x


def reference(frac_coords_t, permuted_frac_coords, sigmas, random_shifts, helper_permuted_indices):
    return _target_score(frac_coords_t, permuted_frac_coords, sigmas, random_shifts, helper_permuted_indices)

if __name__ == "__main__":
    import jax
    _d = setup_inputs()
    print(jax.jit(kernel)(*tuple(_d.values())))

</pallas_src>

<mosaic_0001>
#map = affine_map<(d0, d1) -> (0)>
module attributes {stable_mosaic.version = 14 : i64} {
  func.func @k(%arg0: i32, %arg1: i32, %arg2: memref<153600xf32, #tpu.memory_space<hbm>>, %arg3: memref<51200xi32, #tpu.memory_space<hbm>>, %arg4: memref<38400xf32, #tpu.memory_space<hbm>>, %arg5: memref<4800xf32, #tpu.memory_space<vmem>>, %arg6: memref<1600xi32, #tpu.memory_space<vmem>>, %arg7: memref<1200xf32, #tpu.memory_space<vmem>>, %arg8: memref<!tpu.dma_semaphore, #tpu.memory_space<semaphore_mem>>, %arg9: memref<!tpu.dma_semaphore, #tpu.memory_space<semaphore_mem>>) attributes {dimension_semantics = [#tpu.dimension_semantics<core_parallel>, #tpu.dimension_semantics<subcore_parallel>], iteration_bounds = array<i64: 2, 16>, scalar_prefetch = 0 : i64, scratch_operands = 5 : i64, tpu.core_type = #tpu.core_type<sc_vector_subcore>, window_params = [{transform_indices = #map}, {transform_indices = #map}, {transform_indices = #map}]} {
    %mul3A = arith.constant 16 : i32
    %mul3A_0 = arith.muli %arg0, %mul3A : i32
    %add3A = arith.addi %mul3A_0, %arg1 : i32
    %mul3A_1 = arith.constant 4800 : i32
    %mul3A_2 = arith.muli %add3A, %mul3A_1 : i32
    %dma_start3A = tpu.memref_slice %arg2[%mul3A_2] : memref<153600xf32, #tpu.memory_space<hbm>> -> memref<4800xf32, #tpu.memory_space<hbm>>
    %dma_start3A_3 = tpu.memref_slice %arg2[%mul3A_2] : memref<153600xf32, #tpu.memory_space<hbm>> -> memref<4800xf32, #tpu.memory_space<hbm>>
    tpu.enqueue_dma source(%dma_start3A_3 : memref<4800xf32, #tpu.memory_space<hbm>>) target(%arg5 : memref<4800xf32, #tpu.memory_space<vmem>>) target_semaphore(%arg8 : memref<!tpu.dma_semaphore, #tpu.memory_space<semaphore_mem>>)
    %mul3A_4 = arith.constant 1600 : i32
    %mul3A_5 = arith.muli %add3A, %mul3A_4 : i32
    %dma_start3A_6 = tpu.memref_slice %arg3[%mul3A_5] : memref<51200xi32, #tpu.memory_space<hbm>> -> memref<1600xi32, #tpu.memory_space<hbm>>
    %dma_start3A_7 = tpu.memref_slice %arg3[%mul3A_5] : memref<51200xi32, #tpu.memory_space<hbm>> -> memref<1600xi32, #tpu.memory_space<hbm>>
    tpu.enqueue_dma source(%dma_start3A_7 : memref<1600xi32, #tpu.memory_space<hbm>>) target(%arg6 : memref<1600xi32, #tpu.memory_space<vmem>>) target_semaphore(%arg9 : memref<!tpu.dma_semaphore, #tpu.memory_space<semaphore_mem>>)
    %broadcast_in_dim3A = arith.constant 0.000000e+00 : f32
    %broadcast_in_dim3A_8 = vector.broadcast %broadcast_in_dim3A : f32 to vector<16xf32>
    %scan3A = arith.constant 0 : i32
    %scan3A_9 = arith.constant 75 : i32
    %scan3A_10 = arith.addi %scan3A, %scan3A_9 : i32
    %scan3A_11 = arith.constant 1 : i32
    scf.for %scan3A_126 = %scan3A to %scan3A_10 step %scan3A_11  : i32 {
      %mul3A_127 = arith.constant 1 : i32
      %mul3A_128 = arith.muli %scan3A_126, %mul3A_127 : i32
      %add3A_129 = arith.constant 0 : i32
      %add3A_130 = arith.addi %add3A_129, %mul3A_128 : i32
      %mul3A_131 = arith.constant 16 : i32
      %mul3A_132 = arith.muli %add3A_130, %mul3A_131 : i32
      %swap3A = arith.index_cast %mul3A_132 : i32 to index
      %swap3A_133 = tpu.vector_load %arg7[%swap3A] {strides = array<i32>} : memref<1200xf32, #tpu.memory_space<vmem>>, vector<16xf32>,
      tpu.vector_store %arg7[%swap3A], %broadcast_in_dim3A_8 {strides = array<i32>} : memref<1200xf32, #tpu.memory_space<vmem>>, vector<16xf32>,
    }
    %scan3A_12 = arith.constant 75 : i32
    %dma_wait3A = tpu.memref_slice %arg3[%mul3A_5] : memref<51200xi32, #tpu.memory_space<hbm>> -> memref<1600xi32, #tpu.memory_space<hbm>>
    %dma_wait3A_13 = tpu.memref_slice %arg3[%mul3A_5] : memref<51200xi32, #tpu.memory_space<hbm>> -> memref<1600xi32, #tpu.memory_space<hbm>>
    tpu.wait_dma2 semaphore(%arg9 : memref<!tpu.dma_semaphore, #tpu.memory_space<semaphore_mem>>) src(%dma_wait3A_13 : memref<1600xi32, #tpu.memory_space<hbm>>) dst(%arg6 : memref<1600xi32, #tpu.memory_space<vmem>>)
    %dma_wait3A_14 = tpu.memref_slice %arg2[%mul3A_2] : memref<153600xf32, #tpu.memory_space<hbm>> -> memref<4800xf32, #tpu.memory_space<hbm>>
    %dma_wait3A_15 = tpu.memref_slice %arg2[%mul3A_2] : memref<153600xf32, #tpu.memory_space<hbm>> -> memref<4800xf32, #tpu.memory_space<hbm>>
    tpu.wait_dma2 semaphore(%arg8 : memref<!tpu.dma_semaphore, #tpu.memory_space<semaphore_mem>>) src(%dma_wait3A_15 : memref<4800xf32, #tpu.memory_space<hbm>>) dst(%arg5 : memref<4800xf32, #tpu.memory_space<vmem>>)
    %iota3A = tpu.iota {dimensions = array<i32: 0>} : vector<16xi32>
    %add3A_16 = arith.constant 0 : i32
    %add3A_17 = vector.broadcast %add3A_16 : i32 to vector<16xi32>
    %add3A_18 = arith.addi %add3A_17, %iota3A : vector<16xi32>
    %jit3A = arith.constant 3 : i32
    %div3A = vector.broadcast %jit3A : i32 to vector<16xi32>
    %div3A_19 = arith.divsi %add3A_18, %div3A : vector<16xi32>
    %sign3A = arith.constant 0 : i32
    %sign3A_20 = vector.broadcast %sign3A : i32 to vector<16xi32>
    %sign3A_21 = arith.cmpi sgt, %add3A_18, %sign3A_20 : vector<16xi32>
    %sign3A_22 = arith.extui %sign3A_21 : vector<16xi1> to vector<16xi32>
    %sign3A_23 = arith.constant 0 : i32
    %sign3A_24 = vector.broadcast %sign3A_23 : i32 to vector<16xi32>
    %sign3A_25 = arith.cmpi slt, %add3A_18, %sign3A_24 : vector<16xi32>
    %sign3A_26 = arith.extui %sign3A_25 : vector<16xi1> to vector<16xi32>
    %sign3A_27 = arith.subi %sign3A_22, %sign3A_26 : vector<16xi32>
    %sign3A_28 = arith.constant 0 : i32
    %sign3A_29 = arith.cmpi sgt, %jit3A, %sign3A_28 : i32
    %sign3A_30 = arith.extui %sign3A_29 : i1 to i32
    %sign3A_31 = arith.constant 0 : i32
    %sign3A_32 = arith.cmpi slt, %jit3A, %sign3A_31 : i32
    %sign3A_33 = arith.extui %sign3A_32 : i1 to i32
    %sign3A_34 = arith.subi %sign3A_30, %sign3A_33 : i32
    %ne3A = vector.broadcast %sign3A_34 : i32 to vector<16xi32>
    %ne3A_35 = arith.cmpi ne, %sign3A_27, %ne3A : vector<16xi32>
    %rem3A = vector.broadcast %jit3A : i32 to vector<16xi32>
    %rem3A_36 = arith.remsi %add3A_18, %rem3A : vector<16xi32>
    %ne3A_37 = arith.constant 0 : i32
    %ne3A_38 = vector.broadcast %ne3A_37 : i32 to vector<16xi32>
    %ne3A_39 = arith.cmpi ne, %rem3A_36, %ne3A_38 : vector<16xi32>
    %and3A = arith.andi %ne3A_35, %ne3A_39 : vector<16xi1>
    %sub3A = arith.constant 1 : i32
    %sub3A_40 = vector.broadcast %sub3A : i32 to vector<16xi32>
    %sub3A_41 = arith.subi %div3A_19, %sub3A_40 : vector<16xi32>
    %select_n3A = arith.select %and3A, %sub3A_41, %div3A_19 : vector<16xi1>, vector<16xi32>
    %add3A_42 = arith.addi %select_n3A, %select_n3A : vector<16xi32>
    %add3A_43 = arith.addi %add3A_42, %select_n3A : vector<16xi32>
    %sub3A_44 = arith.subi %add3A_18, %add3A_43 : vector<16xi32>
    %add3A_45 = arith.constant 16 : i32
    %add3A_46 = vector.broadcast %add3A_45 : i32 to vector<16xi32>
    %add3A_47 = arith.addi %add3A_46, %iota3A : vector<16xi32>
    %jit3A_48 = arith.constant 3 : i32
    %div3A_49 = vector.broadcast %jit3A_48 : i32 to vector<16xi32>
    %div3A_50 = arith.divsi %add3A_47, %div3A_49 : vector<16xi32>
    %sign3A_51 = arith.constant 0 : i32
    %sign3A_52 = vector.broadcast %sign3A_51 : i32 to vector<16xi32>
    %sign3A_53 = arith.cmpi sgt, %add3A_47, %sign3A_52 : vector<16xi32>
    %sign3A_54 = arith.extui %sign3A_53 : vector<16xi1> to vector<16xi32>
    %sign3A_55 = arith.constant 0 : i32
    %sign3A_56 = vector.broadcast %sign3A_55 : i32 to vector<16xi32>
    %sign3A_57 = arith.cmpi slt, %add3A_47, %sign3A_56 : vector<16xi32>
    %sign3A_58 = arith.extui %sign3A_57 : vector<16xi1> to vector<16xi32>
    %sign3A_59 = arith.subi %sign3A_54, %sign3A_58 : vector<16xi32>
    %sign3A_60 = arith.constant 0 : i32
    %sign3A_61 = arith.cmpi sgt, %jit3A_48, %sign3A_60 : i32
    %sign3A_62 = arith.extui %sign3A_61 : i1 to i32
    %sign3A_63 = arith.constant 0 : i32
    %sign3A_64 = arith.cmpi slt, %jit3A_48, %sign3A_63 : i32
    %sign3A_65 = arith.extui %sign3A_64 : i1 to i32
    %sign3A_66 = arith.subi %sign3A_62, %sign3A_65 : i32
    %ne3A_67 = vector.broadcast %sign3A_66 : i32 to vector<16xi32>
    %ne3A_68 = arith.cmpi ne, %sign3A_59, %ne3A_67 : vector<16xi32>
    %rem3A_69 = vector.broadcast %jit3A_48 : i32 to vector<16xi32>
    %rem3A_70 = arith.remsi %add3A_47, %rem3A_69 : vector<16xi32>
    %ne3A_71 = arith.constant 0 : i32
    %ne3A_72 = vector.broadcast %ne3A_71 : i32 to vector<16xi32>
    %ne3A_73 = arith.cmpi ne, %rem3A_70, %ne3A_72 : vector<16xi32>
    %and3A_74 = arith.andi %ne3A_68, %ne3A_73 : vector<16xi1>
    %sub3A_75 = arith.constant 1 : i32
    %sub3A_76 = vector.broadcast %sub3A_75 : i32 to vector<16xi32>
    %sub3A_77 = arith.subi %div3A_50, %sub3A_76 : vector<16xi32>
    %select_n3A_78 = arith.select %and3A_74, %sub3A_77, %div3A_50 : vector<16xi1>, vector<16xi32>
    %add3A_79 = arith.addi %select_n3A_78, %select_n3A_78 : vector<16xi32>
    %add3A_80 = arith.addi %add3A_79, %select_n3A_78 : vector<16xi32>
    %sub3A_81 = arith.subi %add3A_47, %add3A_80 : vector<16xi32>
    %add3A_82 = arith.constant 32 : i32
    %add3A_83 = vector.broadcast %add3A_82 : i32 to vector<16xi32>
    %add3A_84 = arith.addi %add3A_83, %iota3A : vector<16xi32>
    %jit3A_85 = arith.constant 3 : i32
    %div3A_86 = vector.broadcast %jit3A_85 : i32 to vector<16xi32>
    %div3A_87 = arith.divsi %add3A_84, %div3A_86 : vector<16xi32>
    %sign3A_88 = arith.constant 0 : i32
    %sign3A_89 = vector.broadcast %sign3A_88 : i32 to vector<16xi32>
    %sign3A_90 = arith.cmpi sgt, %add3A_84, %sign3A_89 : vector<16xi32>
    %sign3A_91 = arith.extui %sign3A_90 : vector<16xi1> to vector<16xi32>
    %sign3A_92 = arith.constant 0 : i32
    %sign3A_93 = vector.broadcast %sign3A_92 : i32 to vector<16xi32>
    %sign3A_94 = arith.cmpi slt, %add3A_84, %sign3A_93 : vector<16xi32>
    %sign3A_95 = arith.extui %sign3A_94 : vector<16xi1> to vector<16xi32>
    %sign3A_96 = arith.subi %sign3A_91, %sign3A_95 : vector<16xi32>
    %sign3A_97 = arith.constant 0 : i32
    %sign3A_98 = arith.cmpi sgt, %jit3A_85, %sign3A_97 : i32
    %sign3A_99 = arith.extui %sign3A_98 : i1 to i32
    %sign3A_100 = arith.constant 0 : i32
    %sign3A_101 = arith.cmpi slt, %jit3A_85, %sign3A_100 : i32
    %sign3A_102 = arith.extui %sign3A_101 : i1 to i32
    %sign3A_103 = arith.subi %sign3A_99, %sign3A_102 : i32
    %ne3A_104 = vector.broadcast %sign3A_103 : i32 to vector<16xi32>
    %ne3A_105 = arith.cmpi ne, %sign3A_96, %ne3A_104 : vector<16xi32>
    %rem3A_106 = vector.broadcast %jit3A_85 : i32 to vector<16xi32>
    %rem3A_107 = arith.remsi %add3A_84, %rem3A_106 : vector<16xi32>
    %ne3A_108 = arith.constant 0 : i32
    %ne3A_109 = vector.broadcast %ne3A_108 : i32 to vector<16xi32>
    %ne3A_110 = arith.cmpi ne, %rem3A_107, %ne3A_109 : vector<16xi32>
    %and3A_111 = arith.andi %ne3A_105, %ne3A_110 : vector<16xi1>
    %sub3A_112 = arith.constant 1 : i32
    %sub3A_113 = vector.broadcast %sub3A_112 : i32 to vector<16xi32>
    %sub3A_114 = arith.subi %div3A_87, %sub3A_113 : vector<16xi32>
    %select_n3A_115 = arith.select %and3A_111, %sub3A_114, %div3A_87 : vector<16xi1>, vector<16xi32>
    %add3A_116 = arith.addi %select_n3A_115, %select_n3A_115 : vector<16xi32>
    %add3A_117 = arith.addi %add3A_116, %select_n3A_115 : vector<16xi32>
    %sub3A_118 = arith.subi %add3A_84, %add3A_117 : vector<16xi32>
    %scan3A_119 = arith.constant 0 : i32
    %scan3A_120 = arith.constant 100 : i32
    %scan3A_121 = arith.addi %scan3A_119, %scan3A_120 : i32
    %scan3A_122 = arith.constant 1 : i32
    scf.for %scan3A_126 = %scan3A_119 to %scan3A_121 step %scan3A_122  : i32 {
      %mul3A_127 = arith.constant 1 : i32
      %mul3A_128 = arith.muli %scan3A_126, %mul3A_127 : i32
      %add3A_129 = arith.constant 0 : i32
      %add3A_130 = arith.addi %add3A_129, %mul3A_128 : i32
      %mul3A_131 = arith.constant 16 : i32
      %mul3A_132 = arith.muli %add3A_130, %mul3A_131 : i32
      %add3A_133 = vector.broadcast %mul3A_132 : i32 to vector<16xi32>
      %add3A_134 = arith.addi %select_n3A, %add3A_133 : vector<16xi32>
      %gather3A = tpu.vector_load_idx %arg6[%add3A_134] : memref<1600xi32, #tpu.memory_space<vmem>>[vector<16xi32>], vector<16xi32>,
      %jit3A_135 = arith.constant 400 : i32
      %div3A_136 = vector.broadcast %jit3A_135 : i32 to vector<16xi32>
      %div3A_137 = arith.divsi %add3A_134, %div3A_136 : vector<16xi32>
      %sign3A_138 = arith.constant 0 : i32
      %sign3A_139 = vector.broadcast %sign3A_138 : i32 to vector<16xi32>
      %sign3A_140 = arith.cmpi sgt, %add3A_134, %sign3A_139 : vector<16xi32>
      %sign3A_141 = arith.extui %sign3A_140 : vector<16xi1> to vector<16xi32>
      %sign3A_142 = arith.constant 0 : i32
      %sign3A_143 = vector.broadcast %sign3A_142 : i32 to vector<16xi32>
      %sign3A_144 = arith.cmpi slt, %add3A_134, %sign3A_143 : vector<16xi32>
      %sign3A_145 = arith.extui %sign3A_144 : vector<16xi1> to vector<16xi32>
      %sign3A_146 = arith.subi %sign3A_141, %sign3A_145 : vector<16xi32>
      %sign3A_147 = arith.constant 0 : i32
      %sign3A_148 = arith.cmpi sgt, %jit3A_135, %sign3A_147 : i32
      %sign3A_149 = arith.extui %sign3A_148 : i1 to i32
      %sign3A_150 = arith.constant 0 : i32
      %sign3A_151 = arith.cmpi slt, %jit3A_135, %sign3A_150 : i32
      %sign3A_152 = arith.extui %sign3A_151 : i1 to i32
      %sign3A_153 = arith.subi %sign3A_149, %sign3A_152 : i32
      %ne3A_154 = vector.broadcast %sign3A_153 : i32 to vector<16xi32>
      %ne3A_155 = arith.cmpi ne, %sign3A_146, %ne3A_154 : vector<16xi32>
      %rem3A_156 = vector.broadcast %jit3A_135 : i32 to vector<16xi32>
      %rem3A_157 = arith.remsi %add3A_134, %rem3A_156 : vector<16xi32>
      %ne3A_158 = arith.constant 0 : i32
      %ne3A_159 = vector.broadcast %ne3A_158 : i32 to vector<16xi32>
      %ne3A_160 = arith.cmpi ne, %rem3A_157, %ne3A_159 : vector<16xi32>
      %and3A_161 = arith.andi %ne3A_155, %ne3A_160 : vector<16xi1>
      %sub3A_162 = arith.constant 1 : i32
      %sub3A_163 = vector.broadcast %sub3A_162 : i32 to vector<16xi32>
      %sub3A_164 = arith.subi %div3A_137, %sub3A_163 : vector<16xi32>
      %select_n3A_165 = arith.select %and3A_161, %sub3A_164, %div3A_137 : vector<16xi1>, vector<16xi32>
      %mul3A_166 = arith.constant 300 : i32
      %mul3A_167 = vector.broadcast %mul3A_166 : i32 to vector<16xi32>
      %mul3A_168 = arith.muli %select_n3A_165, %mul3A_167 : vector<16xi32>
      %add3A_169 = arith.addi %gather3A, %gather3A : vector<16xi32>
      %add3A_170 = arith.addi %add3A_169, %gather3A : vector<16xi32>
      %add3A_171 = arith.addi %mul3A_168, %add3A_170 : vector<16xi32>
      %add3A_172 = arith.addi %add3A_171, %sub3A_44 : vector<16xi32>
      %mul3A_173 = arith.constant 3 : i32
      %mul3A_174 = arith.muli %add3A_130, %mul3A_173 : i32
      %mul3A_175 = arith.constant 16 : i32
      %mul3A_176 = arith.muli %mul3A_174, %mul3A_175 : i32
      %add3A_177 = arith.constant 0 : i32
      %add3A_178 = arith.addi %mul3A_176, %add3A_177 : i32
      %get3A = arith.index_cast %add3A_178 : i32 to index
      %get3A_179 = tpu.vector_load %arg5[%get3A] {strides = array<i32>} : memref<4800xf32, #tpu.memory_space<vmem>>, vector<16xf32>,
      tpu.vector_store_idx %arg7[%add3A_172], %get3A_179 {add = true} : memref<1200xf32, #tpu.memory_space<vmem>>[vector<16xi32>], vector<16xf32>,
      %add3A_180 = vector.broadcast %mul3A_132 : i32 to vector<16xi32>
      %add3A_181 = arith.addi %select_n3A_78, %add3A_180 : vector<16xi32>
      %gather3A_182 = tpu.vector_load_idx %arg6[%add3A_181] : memref<1600xi32, #tpu.memory_space<vmem>>[vector<16xi32>], vector<16xi32>,
      %jit3A_183 = arith.constant 400 : i32
      %div3A_184 = vector.broadcast %jit3A_183 : i32 to vector<16xi32>
      %div3A_185 = arith.divsi %add3A_181, %div3A_184 : vector<16xi32>
      %sign3A_186 = arith.constant 0 : i32
      %sign3A_187 = vector.broadcast %sign3A_186 : i32 to vector<16xi32>
      %sign3A_188 = arith.cmpi sgt, %add3A_181, %sign3A_187 : vector<16xi32>
      %sign3A_189 = arith.extui %sign3A_188 : vector<16xi1> to vector<16xi32>
      %sign3A_190 = arith.constant 0 : i32
      %sign3A_191 = vector.broadcast %sign3A_190 : i32 to vector<16xi32>
      %sign3A_192 = arith.cmpi slt, %add3A_181, %sign3A_191 : vector<16xi32>
      %sign3A_193 = arith.extui %sign3A_192 : vector<16xi1> to vector<16xi32>
      %sign3A_194 = arith.subi %sign3A_189, %sign3A_193 : vector<16xi32>
      %sign3A_195 = arith.constant 0 : i32
      %sign3A_196 = arith.cmpi sgt, %jit3A_183, %sign3A_195 : i32
      %sign3A_197 = arith.extui %sign3A_196 : i1 to i32
      %sign3A_198 = arith.constant 0 : i32
      %sign3A_199 = arith.cmpi slt, %jit3A_183, %sign3A_198 : i32
      %sign3A_200 = arith.extui %sign3A_199 : i1 to i32
      %sign3A_201 = arith.subi %sign3A_197, %sign3A_200 : i32
      %ne3A_202 = vector.broadcast %sign3A_201 : i32 to vector<16xi32>
      %ne3A_203 = arith.cmpi ne, %sign3A_194, %ne3A_202 : vector<16xi32>
      %rem3A_204 = vector.broadcast %jit3A_183 : i32 to vector<16xi32>
      %rem3A_205 = arith.remsi %add3A_181, %rem3A_204 : vector<16xi32>
      %ne3A_206 = arith.constant 0 : i32
      %ne3A_207 = vector.broadcast %ne3A_206 : i32 to vector<16xi32>
      %ne3A_208 = arith.cmpi ne, %rem3A_205, %ne3A_207 : vector<16xi32>
      %and3A_209 = arith.andi %ne3A_203, %ne3A_208 : vector<16xi1>
      %sub3A_210 = arith.constant 1 : i32
      %sub3A_211 = vector.broadcast %sub3A_210 : i32 to vector<16xi32>
      %sub3A_212 = arith.subi %div3A_185, %sub3A_211 : vector<16xi32>
      %select_n3A_213 = arith.select %and3A_209, %sub3A_212, %div3A_185 : vector<16xi1>, vector<16xi32>
      %mul3A_214 = arith.constant 300 : i32
      %mul3A_215 = vector.broadcast %mul3A_214 : i32 to vector<16xi32>
      %mul3A_216 = arith.muli %select_n3A_213, %mul3A_215 : vector<16xi32>
      %add3A_217 = arith.addi %gather3A_182, %gather3A_182 : vector<16xi32>
      %add3A_218 = arith.addi %add3A_217, %gather3A_182 : vector<16xi32>
      %add3A_219 = arith.addi %mul3A_216, %add3A_218 : vector<16xi32>
      %add3A_220 = arith.addi %add3A_219, %sub3A_81 : vector<16xi32>
      %mul3A_221 = arith.constant 3 : i32
      %mul3A_222 = arith.muli %add3A_130, %mul3A_221 : i32
      %mul3A_223 = arith.constant 16 : i32
      %mul3A_224 = arith.muli %mul3A_222, %mul3A_223 : i32
      %add3A_225 = arith.constant 16 : i32
      %add3A_226 = arith.addi %mul3A_224, %add3A_225 : i32
      %get3A_227 = arith.index_cast %add3A_226 : i32 to index
      %get3A_228 = tpu.vector_load %arg5[%get3A_227] {strides = array<i32>} : memref<4800xf32, #tpu.memory_space<vmem>>, vector<16xf32>,
      tpu.vector_store_idx %arg7[%add3A_220], %get3A_228 {add = true} : memref<1200xf32, #tpu.memory_space<vmem>>[vector<16xi32>], vector<16xf32>,
      %add3A_229 = vector.broadcast %mul3A_132 : i32 to vector<16xi32>
      %add3A_230 = arith.addi %select_n3A_115, %add3A_229 : vector<16xi32>
      %gather3A_231 = tpu.vector_load_idx %arg6[%add3A_230] : memref<1600xi32, #tpu.memory_space<vmem>>[vector<16xi32>], vector<16xi32>,
      %jit3A_232 = arith.constant 400 : i32
      %div3A_233 = vector.broadcast %jit3A_232 : i32 to vector<16xi32>
      %div3A_234 = arith.divsi %add3A_230, %div3A_233 : vector<16xi32>
      %sign3A_235 = arith.constant 0 : i32
      %sign3A_236 = vector.broadcast %sign3A_235 : i32 to vector<16xi32>
      %sign3A_237 = arith.cmpi sgt, %add3A_230, %sign3A_236 : vector<16xi32>
      %sign3A_238 = arith.extui %sign3A_237 : vector<16xi1> to vector<16xi32>
      %sign3A_239 = arith.constant 0 : i32
      %sign3A_240 = vector.broadcast %sign3A_239 : i32 to vector<16xi32>
      %sign3A_241 = arith.cmpi slt, %add3A_230, %sign3A_240 : vector<16xi32>
      %sign3A_242 = arith.extui %sign3A_241 : vector<16xi1> to vector<16xi32>
      %sign3A_243 = arith.subi %sign3A_238, %sign3A_242 : vector<16xi32>
      %sign3A_244 = arith.constant 0 : i32
      %sign3A_245 = arith.cmpi sgt, %jit3A_232, %sign3A_244 : i32
      %sign3A_246 = arith.extui %sign3A_245 : i1 to i32
      %sign3A_247 = arith.constant 0 : i32
      %sign3A_248 = arith.cmpi slt, %jit3A_232, %sign3A_247 : i32
      %sign3A_249 = arith.extui %sign3A_248 : i1 to i32
      %sign3A_250 = arith.subi %sign3A_246, %sign3A_249 : i32
      %ne3A_251 = vector.broadcast %sign3A_250 : i32 to vector<16xi32>
      %ne3A_252 = arith.cmpi ne, %sign3A_243, %ne3A_251 : vector<16xi32>
      %rem3A_253 = vector.broadcast %jit3A_232 : i32 to vector<16xi32>
      %rem3A_254 = arith.remsi %add3A_230, %rem3A_253 : vector<16xi32>
      %ne3A_255 = arith.constant 0 : i32
      %ne3A_256 = vector.broadcast %ne3A_255 : i32 to vector<16xi32>
      %ne3A_257 = arith.cmpi ne, %rem3A_254, %ne3A_256 : vector<16xi32>
      %and3A_258 = arith.andi %ne3A_252, %ne3A_257 : vector<16xi1>
      %sub3A_259 = arith.constant 1 : i32
      %sub3A_260 = vector.broadcast %sub3A_259 : i32 to vector<16xi32>
      %sub3A_261 = arith.subi %div3A_234, %sub3A_260 : vector<16xi32>
      %select_n3A_262 = arith.select %and3A_258, %sub3A_261, %div3A_234 : vector<16xi1>, vector<16xi32>
      %mul3A_263 = arith.constant 300 : i32
      %mul3A_264 = vector.broadcast %mul3A_263 : i32 to vector<16xi32>
      %mul3A_265 = arith.muli %select_n3A_262, %mul3A_264 : vector<16xi32>
      %add3A_266 = arith.addi %gather3A_231, %gather3A_231 : vector<16xi32>
      %add3A_267 = arith.addi %add3A_266, %gather3A_231 : vector<16xi32>
      %add3A_268 = arith.addi %mul3A_265, %add3A_267 : vector<16xi32>
      %add3A_269 = arith.addi %add3A_268, %sub3A_118 : vector<16xi32>
      %mul3A_270 = arith.constant 3 : i32
      %mul3A_271 = arith.muli %add3A_130, %mul3A_270 : i32
      %mul3A_272 = arith.constant 16 : i32
      %mul3A_273 = arith.muli %mul3A_271, %mul3A_272 : i32
      %add3A_274 = arith.constant 32 : i32
      %add3A_275 = arith.addi %mul3A_273, %add3A_274 : i32
      %get3A_276 = arith.index_cast %add3A_275 : i32 to index
      %get3A_277 = tpu.vector_load %arg5[%get3A_276] {strides = array<i32>} : memref<4800xf32, #tpu.memory_space<vmem>>, vector<16xf32>,
      tpu.vector_store_idx %arg7[%add3A_269], %get3A_277 {add = true} : memref<1200xf32, #tpu.memory_space<vmem>>[vector<16xi32>], vector<16xf32>,
    }
    %scan3A_123 = arith.constant 100 : i32
    %mul3A_124 = arith.constant 1200 : i32
    %mul3A_125 = arith.muli %add3A, %mul3A_124 : i32
    "tpu.region"() ({
      %run_scoped3A = tpu.sem_alloc : memref<!tpu.dma_semaphore, #tpu.memory_space<semaphore_mem>>
      %dma_start3A_126 = tpu.memref_slice %arg4[%mul3A_125] : memref<38400xf32, #tpu.memory_space<hbm>> -> memref<1200xf32, #tpu.memory_space<hbm>>
      %dma_start3A_127 = tpu.memref_slice %arg4[%mul3A_125] : memref<38400xf32, #tpu.memory_space<hbm>> -> memref<1200xf32, #tpu.memory_space<hbm>>
      tpu.enqueue_dma source(%arg7 : memref<1200xf32, #tpu.memory_space<vmem>>) target(%dma_start3A_127 : memref<1200xf32, #tpu.memory_space<hbm>>) target_semaphore(%run_scoped3A : memref<!tpu.dma_semaphore, #tpu.memory_space<semaphore_mem>>)
      %dma_wait3A_128 = tpu.memref_slice %arg4[%mul3A_125] : memref<38400xf32, #tpu.memory_space<hbm>> -> memref<1200xf32, #tpu.memory_space<hbm>>
      %dma_wait3A_129 = tpu.memref_slice %arg4[%mul3A_125] : memref<38400xf32, #tpu.memory_space<hbm>> -> memref<1200xf32, #tpu.memory_space<hbm>>
      tpu.wait_dma2 semaphore(%run_scoped3A : memref<!tpu.dma_semaphore, #tpu.memory_space<semaphore_mem>>) src(%arg7 : memref<1200xf32, #tpu.memory_space<vmem>>) dst(%dma_wait3A_129 : memref<1200xf32, #tpu.memory_space<hbm>>)
      tpu.yield
    }) : () -> ()
    return
  }
}

module attributes {stable_mosaic.version = 14 : i64} {
  func.func @_dense_body(%arg0: memref<128x1200xf32, #tpu.memory_space<vmem>>, %arg1: memref<128x300xf32, #tpu.memory_space<vmem>>, %arg2: memref<4x128x12xf32, #tpu.memory_space<vmem>>, %arg3: memref<128x1xf32, #tpu.memory_space<vmem>>, %arg4: memref<128x1200xf32, #tpu.memory_space<vmem>>) attributes {dimension_semantics = [], scalar_prefetch = 0 : i64, scratch_operands = 0 : i64, tpu.core_type = #tpu.core_type<tc>} {
    %get3A = arith.constant 0 : index
    %get3A_0 = arith.constant 0 : index
    %get3A_1 = vector.load %arg1[%get3A, %get3A_0] : memref<128x300xf32, #tpu.memory_space<vmem>>, vector<128x300xf32>
    %get3A_2 = arith.constant 0 : index
    %get3A_3 = arith.constant 0 : index
    %get3A_4 = vector.load %arg3[%get3A_2, %get3A_3] : memref<128x1xf32, #tpu.memory_space<vmem>>, vector<128x1xf32>
    %mul3A = arith.mulf %get3A_4, %get3A_4 : vector<128x1xf32>
    %div3A = arith.constant 5.000000e-01 : f32
    %div3A_5 = vector.broadcast %div3A : f32 to vector<128x1xf32>
    %div3A_6 = arith.divf %div3A_5, %mul3A : vector<128x1xf32>
    %iota3A = tpu.iota {dimensions = array<i32: 1>} : vector<128x300xi32>
    %jit3A = arith.constant 3 : i32
    %eq3A = arith.constant 0 : i32
    %eq3A_7 = arith.cmpi eq, %jit3A, %eq3A : i32
    %jit3A_8 = arith.constant 1 : i32
    %select_n3A = arith.select %eq3A_7, %jit3A_8, %jit3A : i32
    %rem3A = vector.broadcast %select_n3A : i32 to vector<128x300xi32>
    %rem3A_9 = arith.remsi %iota3A, %rem3A : vector<128x300xi32>
    %ne3A = arith.constant 0 : i32
    %ne3A_10 = vector.broadcast %ne3A : i32 to vector<128x300xi32>
    %ne3A_11 = arith.cmpi ne, %rem3A_9, %ne3A_10 : vector<128x300xi32>
    %lt3A = arith.constant 0 : i32
    %lt3A_12 = vector.broadcast %lt3A : i32 to vector<128x300xi32>
    %lt3A_13 = arith.cmpi slt, %rem3A_9, %lt3A_12 : vector<128x300xi32>
    %lt3A_14 = arith.constant 0 : i32
    %lt3A_15 = arith.cmpi slt, %select_n3A, %lt3A_14 : i32
    %ne3A_16 = vector.broadcast %lt3A_15 : i1 to vector<128x300xi1>
    %ne3A_17 = vector.broadcast %ne3A_16 : vector<128x300xi1> to vector<128x300xi1>
    %ne3A_18 = arith.xori %lt3A_13, %ne3A_17 : vector<128x300xi1>
    %and3A = arith.andi %ne3A_18, %ne3A_11 : vector<128x300xi1>
    %add3A = vector.broadcast %select_n3A : i32 to vector<128x300xi32>
    %add3A_19 = arith.addi %rem3A_9, %add3A : vector<128x300xi32>
    %select_n3A_20 = arith.select %and3A, %add3A_19, %rem3A_9 : vector<128x300xi1>, vector<128x300xi32>
    %eq3A_21 = arith.constant 0 : i32
    %eq3A_22 = vector.broadcast %eq3A_21 : i32 to vector<128x300xi32>
    %eq3A_23 = arith.cmpi eq, %select_n3A_20, %eq3A_22 : vector<128x300xi32>
    %eq3A_24 = arith.constant 1 : i32
    %eq3A_25 = vector.broadcast %eq3A_24 : i32 to vector<128x300xi32>
    %eq3A_26 = arith.cmpi eq, %select_n3A_20, %eq3A_25 : vector<128x300xi32>
    %broadcast_in_dim3A = arith.constant 1.000000e+00 : f32
    %broadcast_in_dim3A_27 = vector.broadcast %broadcast_in_dim3A : f32 to vector<128x1200xf32>
    %mul3A_28 = vector.broadcast %div3A_6 : vector<128x1xf32> to vector<128x1200xf32>
    %mul3A_29 = arith.mulf %mul3A_28, %broadcast_in_dim3A_27 : vector<128x1200xf32>
    %mul3A_30 = arith.constant 4.000000e+00 : f32
    %mul3A_31 = vector.broadcast %mul3A_30 : f32 to vector<128x1200xf32>
    %mul3A_32 = arith.mulf %mul3A_29, %mul3A_31 : vector<128x1200xf32>
    %mul3A_33 = arith.constant 9.000000e+00 : f32
    %mul3A_34 = vector.broadcast %mul3A_33 : f32 to vector<128x1200xf32>
    %mul3A_35 = arith.mulf %mul3A_29, %mul3A_34 : vector<128x1200xf32>
    %add3A_36 = arith.addf %mul3A_29, %mul3A_29 : vector<128x1200xf32>
    %get3A_37 = arith.constant 0 : index
    %get3A_38 = arith.constant 0 : index
    %get3A_39 = arith.constant 0 : index
    %get3A_40 = vector.load %arg2[%get3A_37, %get3A_38, %get3A_39] : memref<4x128x12xf32, #tpu.memory_space<vmem>>, vector<1x128x12xf32>
    %get3A_41 = vector.shape_cast %get3A_40 : vector<1x128x12xf32> to vector<128x12xf32>
    %slice3A = vector.extract_strided_slice %get3A_41 {offsets = [0, 0], sizes = [128, 1], strides = [1, 1]} : vector<128x12xf32> to vector<128x1xf32>
    %get3A_42 = arith.constant 0 : index
    %get3A_43 = arith.constant 0 : index
    %get3A_44 = arith.constant 0 : index
    %get3A_45 = vector.load %arg2[%get3A_42, %get3A_43, %get3A_44] : memref<4x128x12xf32, #tpu.memory_space<vmem>>, vector<1x128x12xf32>
    %get3A_46 = vector.shape_cast %get3A_45 : vector<1x128x12xf32> to vector<128x12xf32>
    %slice3A_47 = vector.extract_strided_slice %get3A_46 {offsets = [0, 1], sizes = [128, 1], strides = [1, 1]} : vector<128x12xf32> to vector<128x1xf32>
    %get3A_48 = arith.constant 0 : index
    %get3A_49 = arith.constant 0 : index
    %get3A_50 = arith.constant 0 : index
    %get3A_51 = vector.load %arg2[%get3A_48, %get3A_49, %get3A_50] : memref<4x128x12xf32, #tpu.memory_space<vmem>>, vector<1x128x12xf32>
    %get3A_52 = vector.shape_cast %get3A_51 : vector<1x128x12xf32> to vector<128x12xf32>
    %slice3A_53 = vector.extract_strided_slice %get3A_52 {offsets = [0, 2], sizes = [128, 1], strides = [1, 1]} : vector<128x12xf32> to vector<128x1xf32>
    %broadcast_in_dim3A_54 = vector.shape_cast %slice3A_47 : vector<128x1xf32> to vector<128x1xf32>
    %broadcast_in_dim3A_55 = vector.broadcast %broadcast_in_dim3A_54 : vector<128x1xf32> to vector<128x300xf32>
    %broadcast_in_dim3A_56 = vector.shape_cast %slice3A_53 : vector<128x1xf32> to vector<128x1xf32>
    %broadcast_in_dim3A_57 = vector.broadcast %broadcast_in_dim3A_56 : vector<128x1xf32> to vector<128x300xf32>
    %select_n3A_58 = arith.select %eq3A_26, %broadcast_in_dim3A_55, %broadcast_in_dim3A_57 : vector<128x300xi1>, vector<128x300xf32>
    %broadcast_in_dim3A_59 = vector.shape_cast %slice3A : vector<128x1xf32> to vector<128x1xf32>
    %broadcast_in_dim3A_60 = vector.broadcast %broadcast_in_dim3A_59 : vector<128x1xf32> to vector<128x300xf32>
    %select_n3A_61 = arith.select %eq3A_23, %broadcast_in_dim3A_60, %select_n3A_58 : vector<128x300xi1>, vector<128x300xf32>
    %get3A_62 = arith.constant 0 : index
    %get3A_63 = arith.constant 0 : index
    %get3A_64 = vector.load %arg0[%get3A_62, %get3A_63] : memref<128x1200xf32, #tpu.memory_space<vmem>>, vector<128x300xf32>
    %add3A_65 = arith.addf %get3A_64, %select_n3A_61 : vector<128x300xf32>
    %floor3A = math.floor %add3A_65 : vector<128x300xf32>
    %sub3A = arith.subf %add3A_65, %floor3A : vector<128x300xf32>
    %sub3A_66 = arith.subf %get3A_1, %sub3A : vector<128x300xf32>
    %get3A_67 = arith.constant 0 : index
    %get3A_68 = arith.constant 0 : index
    %get3A_69 = arith.constant 0 : index
    %get3A_70 = vector.load %arg2[%get3A_67, %get3A_68, %get3A_69] : memref<4x128x12xf32, #tpu.memory_space<vmem>>, vector<1x128x12xf32>
    %get3A_71 = vector.shape_cast %get3A_70 : vector<1x128x12xf32> to vector<128x12xf32>
    %slice3A_72 = vector.extract_strided_slice %get3A_71 {offsets = [0, 3], sizes = [128, 1], strides = [1, 1]} : vector<128x12xf32> to vector<128x1xf32>
    %get3A_73 = arith.constant 0 : index
    %get3A_74 = arith.constant 0 : index
    %get3A_75 = arith.constant 0 : index
    %get3A_76 = vector.load %arg2[%get3A_73, %get3A_74, %get3A_75] : memref<4x128x12xf32, #tpu.memory_space<vmem>>, vector<1x128x12xf32>
    %get3A_77 = vector.shape_cast %get3A_76 : vector<1x128x12xf32> to vector<128x12xf32>
    %slice3A_78 = vector.extract_strided_slice %get3A_77 {offsets = [0, 4], sizes = [128, 1], strides = [1, 1]} : vector<128x12xf32> to vector<128x1xf32>
    %get3A_79 = arith.constant 0 : index
    %get3A_80 = arith.constant 0 : index
    %get3A_81 = arith.constant 0 : index
    %get3A_82 = vector.load %arg2[%get3A_79, %get3A_80, %get3A_81] : memref<4x128x12xf32, #tpu.memory_space<vmem>>, vector<1x128x12xf32>
    %get3A_83 = vector.shape_cast %get3A_82 : vector<1x128x12xf32> to vector<128x12xf32>
    %slice3A_84 = vector.extract_strided_slice %get3A_83 {offsets = [0, 5], sizes = [128, 1], strides = [1, 1]} : vector<128x12xf32> to vector<128x1xf32>
    %broadcast_in_dim3A_85 = vector.shape_cast %slice3A_78 : vector<128x1xf32> to vector<128x1xf32>
    %broadcast_in_dim3A_86 = vector.broadcast %broadcast_in_dim3A_85 : vector<128x1xf32> to vector<128x300xf32>
    %broadcast_in_dim3A_87 = vector.shape_cast %slice3A_84 : vector<128x1xf32> to vector<128x1xf32>
    %broadcast_in_dim3A_88 = vector.broadcast %broadcast_in_dim3A_87 : vector<128x1xf32> to vector<128x300xf32>
    %select_n3A_89 = arith.select %eq3A_26, %broadcast_in_dim3A_86, %broadcast_in_dim3A_88 : vector<128x300xi1>, vector<128x300xf32>
    %broadcast_in_dim3A_90 = vector.shape_cast %slice3A_72 : vector<128x1xf32> to vector<128x1xf32>
    %broadcast_in_dim3A_91 = vector.broadcast %broadcast_in_dim3A_90 : vector<128x1xf32> to vector<128x300xf32>
    %select_n3A_92 = arith.select %eq3A_23, %broadcast_in_dim3A_91, %select_n3A_89 : vector<128x300xi1>, vector<128x300xf32>
    %get3A_93 = arith.constant 0 : index
    %get3A_94 = arith.constant 300 : index
    %get3A_95 = vector.load %arg0[%get3A_93, %get3A_94] : memref<128x1200xf32, #tpu.memory_space<vmem>>, vector<128x300xf32>
    %add3A_96 = arith.addf %get3A_95, %select_n3A_92 : vector<128x300xf32>
    %floor3A_97 = math.floor %add3A_96 : vector<128x300xf32>
    %sub3A_98 = arith.subf %add3A_96, %floor3A_97 : vector<128x300xf32>
    %sub3A_99 = arith.subf %get3A_1, %sub3A_98 : vector<128x300xf32>
    %get3A_100 = arith.constant 0 : index
    %get3A_101 = arith.constant 0 : index
    %get3A_102 = arith.constant 0 : index
    %get3A_103 = vector.load %arg2[%get3A_100, %get3A_101, %get3A_102] : memref<4x128x12xf32, #tpu.memory_space<vmem>>, vector<1x128x12xf32>
    %get3A_104 = vector.shape_cast %get3A_103 : vector<1x128x12xf32> to vector<128x12xf32>
    %slice3A_105 = vector.extract_strided_slice %get3A_104 {offsets = [0, 6], sizes = [128, 1], strides = [1, 1]} : vector<128x12xf32> to vector<128x1xf32>
    %get3A_106 = arith.constant 0 : index
    %get3A_107 = arith.constant 0 : index
    %get3A_108 = arith.constant 0 : index
    %get3A_109 = vector.load %arg2[%get3A_106, %get3A_107, %get3A_108] : memref<4x128x12xf32, #tpu.memory_space<vmem>>, vector<1x128x12xf32>
    %get3A_110 = vector.shape_cast %get3A_109 : vector<1x128x12xf32> to vector<128x12xf32>
    %slice3A_111 = vector.extract_strided_slice %get3A_110 {offsets = [0, 7], sizes = [128, 1], strides = [1, 1]} : vector<128x12xf32> to vector<128x1xf32>
    %get3A_112 = arith.constant 0 : index
    %get3A_113 = arith.constant 0 : index
    %get3A_114 = arith.constant 0 : index
    %get3A_115 = vector.load %arg2[%get3A_112, %get3A_113, %get3A_114] : memref<4x128x12xf32, #tpu.memory_space<vmem>>, vector<1x128x12xf32>
    %get3A_116 = vector.shape_cast %get3A_115 : vector<1x128x12xf32> to vector<128x12xf32>
    %slice3A_117 = vector.extract_strided_slice %get3A_116 {offsets = [0, 8], sizes = [128, 1], strides = [1, 1]} : vector<128x12xf32> to vector<128x1xf32>
    %broadcast_in_dim3A_118 = vector.shape_cast %slice3A_111 : vector<128x1xf32> to vector<128x1xf32>
    %broadcast_in_dim3A_119 = vector.broadcast %broadcast_in_dim3A_118 : vector<128x1xf32> to vector<128x300xf32>
    %broadcast_in_dim3A_120 = vector.shape_cast %slice3A_117 : vector<128x1xf32> to vector<128x1xf32>
    %broadcast_in_dim3A_121 = vector.broadcast %broadcast_in_dim3A_120 : vector<128x1xf32> to vector<128x300xf32>
    %select_n3A_122 = arith.select %eq3A_26, %broadcast_in_dim3A_119, %broadcast_in_dim3A_121 : vector<128x300xi1>, vector<128x300xf32>
    %broadcast_in_dim3A_123 = vector.shape_cast %slice3A_105 : vector<128x1xf32> to vector<128x1xf32>
    %broadcast_in_dim3A_124 = vector.broadcast %broadcast_in_dim3A_123 : vector<128x1xf32> to vector<128x300xf32>
    %select_n3A_125 = arith.select %eq3A_23, %broadcast_in_dim3A_124, %select_n3A_122 : vector<128x300xi1>, vector<128x300xf32>
    %get3A_126 = arith.constant 0 : index
    %get3A_127 = arith.constant 600 : index
    %get3A_128 = vector.load %arg0[%get3A_126, %get3A_127] : memref<128x1200xf32, #tpu.memory_space<vmem>>, vector<128x300xf32>
    %add3A_129 = arith.addf %get3A_128, %select_n3A_125 : vector<128x300xf32>
    %floor3A_130 = math.floor %add3A_129 : vector<128x300xf32>
    %sub3A_131 = arith.subf %add3A_129, %floor3A_130 : vector<128x300xf32>
    %sub3A_132 = arith.subf %get3A_1, %sub3A_131 : vector<128x300xf32>
    %get3A_133 = arith.constant 0 : index
    %get3A_134 = arith.constant 0 : index
    %get3A_135 = arith.constant 0 : index
    %get3A_136 = vector.load %arg2[%get3A_133, %get3A_134, %get3A_135] : memref<4x128x12xf32, #tpu.memory_space<vmem>>, vector<1x128x12xf32>
    %get3A_137 = vector.shape_cast %get3A_136 : vector<1x128x12xf32> to vector<128x12xf32>
    %slice3A_138 = vector.extract_strided_slice %get3A_137 {offsets = [0, 9], sizes = [128, 1], strides = [1, 1]} : vector<128x12xf32> to vector<128x1xf32>
    %get3A_139 = arith.constant 0 : index
    %get3A_140 = arith.constant 0 : index
    %get3A_141 = arith.constant 0 : index
    %get3A_142 = vector.load %arg2[%get3A_139, %get3A_140, %get3A_141] : memref<4x128x12xf32, #tpu.memory_space<vmem>>, vector<1x128x12xf32>
    %get3A_143 = vector.shape_cast %get3A_142 : vector<1x128x12xf32> to vector<128x12xf32>
    %slice3A_144 = vector.extract_strided_slice %get3A_143 {offsets = [0, 10], sizes = [128, 1], strides = [1, 1]} : vector<128x12xf32> to vector<128x1xf32>
    %get3A_145 = arith.constant 0 : index
    %get3A_146 = arith.constant 0 : index
    %get3A_147 = arith.constant 0 : index
    %get3A_148 = vector.load %arg2[%get3A_145, %get3A_146, %get3A_147] : memref<4x128x12xf32, #tpu.memory_space<vmem>>, vector<1x128x12xf32>
    %get3A_149 = vector.shape_cast %get3A_148 : vector<1x128x12xf32> to vector<128x12xf32>
    %slice3A_150 = vector.extract_strided_slice %get3A_149 {offsets = [0, 11], sizes = [128, 1], strides = [1, 1]} : vector<128x12xf32> to vector<128x1xf32>
    %broadcast_in_dim3A_151 = vector.shape_cast %slice3A_144 : vector<128x1xf32> to vector<128x1xf32>
    %broadcast_in_dim3A_152 = vector.broadcast %broadcast_in_dim3A_151 : vector<128x1xf32> to vector<128x300xf32>
    %broadcast_in_dim3A_153 = vector.shape_cast %slice3A_150 : vector<128x1xf32> to vector<128x1xf32>
    %broadcast_in_dim3A_154 = vector.broadcast %broadcast_in_dim3A_153 : vector<128x1xf32> to vector<128x300xf32>
    %select_n3A_155 = arith.select %eq3A_26, %broadcast_in_dim3A_152, %broadcast_in_dim3A_154 : vector<128x300xi1>, vector<128x300xf32>
    %broadcast_in_dim3A_156 = vector.shape_cast %slice3A_138 : vector<128x1xf32> to vector<128x1xf32>
    %broadcast_in_dim3A_157 = vector.broadcast %broadcast_in_dim3A_156 : vector<128x1xf32> to vector<128x300xf32>
    %select_n3A_158 = arith.select %eq3A_23, %broadcast_in_dim3A_157, %select_n3A_155 : vector<128x300xi1>, vector<128x300xf32>
    %get3A_159 = arith.constant 0 : index
    %get3A_160 = arith.constant 900 : index
    %get3A_161 = vector.load %arg0[%get3A_159, %get3A_160] : memref<128x1200xf32, #tpu.memory_space<vmem>>, vector<128x300xf32>
    %add3A_162 = arith.addf %get3A_161, %select_n3A_158 : vector<128x300xf32>
    %floor3A_163 = math.floor %add3A_162 : vector<128x300xf32>
    %sub3A_164 = arith.subf %add3A_162, %floor3A_163 : vector<128x300xf32>
    %sub3A_165 = arith.subf %get3A_1, %sub3A_164 : vector<128x300xf32>
    %concatenate3A = tpu.concatenate %sub3A_66, %sub3A_99, %sub3A_132, %sub3A_165 in 1 : vector<128x300xf32>, vector<128x300xf32>, vector<128x300xf32>, vector<128x300xf32> -> vector<128x1200xf32>
    %round3A = math.roundeven %concatenate3A : vector<128x1200xf32>
    %sub3A_166 = arith.subf %concatenate3A, %round3A : vector<128x1200xf32>
    %mul3A_167 = arith.mulf %sub3A_166, %mul3A_29 : vector<128x1200xf32>
    %add3A_168 = arith.addf %mul3A_167, %mul3A_167 : vector<128x1200xf32>
    %broadcast_in_dim3A_169 = arith.constant 1.000000e+00 : f32
    %broadcast_in_dim3A_170 = vector.broadcast %broadcast_in_dim3A_169 : f32 to vector<128x1200xf32>
    %mul3A_171 = arith.constant 1.000000e+00 : f32
    %mul3A_172 = vector.broadcast %mul3A_171 : f32 to vector<128x1200xf32>
    %mul3A_173 = arith.mulf %mul3A_172, %add3A_168 : vector<128x1200xf32>
    %sub3A_174 = arith.subf %mul3A_173, %mul3A_29 : vector<128x1200xf32>
    %exp3A = math.exp %sub3A_174 : vector<128x1200xf32>
    %add3A_175 = arith.addf %broadcast_in_dim3A_170, %exp3A : vector<128x1200xf32>
    %sub3A_176 = arith.constant 1.000000e+00 : f32
    %sub3A_177 = vector.broadcast %sub3A_176 : f32 to vector<128x1200xf32>
    %sub3A_178 = arith.subf %sub3A_166, %sub3A_177 : vector<128x1200xf32>
    %mul3A_179 = arith.mulf %exp3A, %sub3A_178 : vector<128x1200xf32>
    %add3A_180 = arith.addf %sub3A_166, %mul3A_179 : vector<128x1200xf32>
    %mul3A_181 = arith.constant 2.000000e+00 : f32
    %mul3A_182 = vector.broadcast %mul3A_181 : f32 to vector<128x1200xf32>
    %mul3A_183 = arith.mulf %mul3A_182, %add3A_168 : vector<128x1200xf32>
    %sub3A_184 = arith.subf %mul3A_183, %mul3A_32 : vector<128x1200xf32>
    %exp3A_185 = math.exp %sub3A_184 : vector<128x1200xf32>
    %add3A_186 = arith.addf %add3A_175, %exp3A_185 : vector<128x1200xf32>
    %sub3A_187 = arith.constant 2.000000e+00 : f32
    %sub3A_188 = vector.broadcast %sub3A_187 : f32 to vector<128x1200xf32>
    %sub3A_189 = arith.subf %sub3A_166, %sub3A_188 : vector<128x1200xf32>
    %mul3A_190 = arith.mulf %exp3A_185, %sub3A_189 : vector<128x1200xf32>
    %add3A_191 = arith.addf %add3A_180, %mul3A_190 : vector<128x1200xf32>
    %mul3A_192 = arith.constant 3.000000e+00 : f32
    %mul3A_193 = vector.broadcast %mul3A_192 : f32 to vector<128x1200xf32>
    %mul3A_194 = arith.mulf %mul3A_193, %add3A_168 : vector<128x1200xf32>
    %sub3A_195 = arith.subf %mul3A_194, %mul3A_35 : vector<128x1200xf32>
    %exp3A_196 = math.exp %sub3A_195 : vector<128x1200xf32>
    %add3A_197 = arith.addf %add3A_186, %exp3A_196 : vector<128x1200xf32>
    %sub3A_198 = arith.constant 3.000000e+00 : f32
    %sub3A_199 = vector.broadcast %sub3A_198 : f32 to vector<128x1200xf32>
    %sub3A_200 = arith.subf %sub3A_166, %sub3A_199 : vector<128x1200xf32>
    %mul3A_201 = arith.mulf %exp3A_196, %sub3A_200 : vector<128x1200xf32>
    %add3A_202 = arith.addf %add3A_191, %mul3A_201 : vector<128x1200xf32>
    %mul3A_203 = arith.constant -1.000000e+00 : f32
    %mul3A_204 = vector.broadcast %mul3A_203 : f32 to vector<128x1200xf32>
    %mul3A_205 = arith.mulf %mul3A_204, %add3A_168 : vector<128x1200xf32>
    %sub3A_206 = arith.subf %mul3A_205, %mul3A_29 : vector<128x1200xf32>
    %exp3A_207 = math.exp %sub3A_206 : vector<128x1200xf32>
    %add3A_208 = arith.addf %add3A_197, %exp3A_207 : vector<128x1200xf32>
    %sub3A_209 = arith.constant -1.000000e+00 : f32
    %sub3A_210 = vector.broadcast %sub3A_209 : f32 to vector<128x1200xf32>
    %sub3A_211 = arith.subf %sub3A_166, %sub3A_210 : vector<128x1200xf32>
    %mul3A_212 = arith.mulf %exp3A_207, %sub3A_211 : vector<128x1200xf32>
    %add3A_213 = arith.addf %add3A_202, %mul3A_212 : vector<128x1200xf32>
    %mul3A_214 = arith.constant -2.000000e+00 : f32
    %mul3A_215 = vector.broadcast %mul3A_214 : f32 to vector<128x1200xf32>
    %mul3A_216 = arith.mulf %mul3A_215, %add3A_168 : vector<128x1200xf32>
    %sub3A_217 = arith.subf %mul3A_216, %mul3A_32 : vector<128x1200xf32>
    %exp3A_218 = math.exp %sub3A_217 : vector<128x1200xf32>
    %add3A_219 = arith.addf %add3A_208, %exp3A_218 : vector<128x1200xf32>
    %sub3A_220 = arith.constant -2.000000e+00 : f32
    %sub3A_221 = vector.broadcast %sub3A_220 : f32 to vector<128x1200xf32>
    %sub3A_222 = arith.subf %sub3A_166, %sub3A_221 : vector<128x1200xf32>
    %mul3A_223 = arith.mulf %exp3A_218, %sub3A_222 : vector<128x1200xf32>
    %add3A_224 = arith.addf %add3A_213, %mul3A_223 : vector<128x1200xf32>
    %mul3A_225 = arith.constant -3.000000e+00 : f32
    %mul3A_226 = vector.broadcast %mul3A_225 : f32 to vector<128x1200xf32>
    %mul3A_227 = arith.mulf %mul3A_226, %add3A_168 : vector<128x1200xf32>
    %sub3A_228 = arith.subf %mul3A_227, %mul3A_35 : vector<128x1200xf32>
    %exp3A_229 = math.exp %sub3A_228 : vector<128x1200xf32>
    %add3A_230 = arith.addf %add3A_219, %exp3A_229 : vector<128x1200xf32>
    %sub3A_231 = arith.constant -3.000000e+00 : f32
    %sub3A_232 = vector.broadcast %sub3A_231 : f32 to vector<128x1200xf32>
    %sub3A_233 = arith.subf %sub3A_166, %sub3A_232 : vector<128x1200xf32>
    %mul3A_234 = arith.mulf %exp3A_229, %sub3A_233 : vector<128x1200xf32>
    %add3A_235 = arith.addf %add3A_224, %mul3A_234 : vector<128x1200xf32>
    %log3A = math.log %add3A_230 : vector<128x1200xf32>
    %mul3A_236 = arith.mulf %sub3A_166, %mul3A_167 : vector<128x1200xf32>
    %sub3A_237 = arith.subf %log3A, %mul3A_236 : vector<128x1200xf32>
    %div3A_238 = arith.divf %add3A_235, %add3A_230 : vector<128x1200xf32>
    %neg3A = arith.constant 0.000000e+00 : f32
    %neg3A_239 = vector.broadcast %neg3A : f32 to vector<128x1200xf32>
    %neg3A_240 = arith.subf %neg3A_239, %div3A_238 : vector<128x1200xf32>
    %mul3A_241 = arith.mulf %neg3A_240, %add3A_36 : vector<128x1200xf32>
    %slice3A_242 = vector.extract_strided_slice %sub3A_237 {offsets = [0, 0], sizes = [128, 300], strides = [1, 1]} : vector<128x1200xf32> to vector<128x300xf32>
    %reduce_sum3A = arith.constant dense<0.000000e+00> : vector<128xf32>
    %reduce_sum3A_243 = vector.multi_reduction <add>, %slice3A_242, %reduce_sum3A [1] : vector<128x300xf32> to vector<128xf32>
    %broadcast_in_dim3A_244 = vector.shape_cast %reduce_sum3A_243 : vector<128xf32> to vector<128x1xf32>
    %slice3A_245 = vector.extract_strided_slice %sub3A_237 {offsets = [0, 300], sizes = [128, 300], strides = [1, 1]} : vector<128x1200xf32> to vector<128x300xf32>
    %reduce_sum3A_246 = arith.constant dense<0.000000e+00> : vector<128xf32>
    %reduce_sum3A_247 = vector.multi_reduction <add>, %slice3A_245, %reduce_sum3A_246 [1] : vector<128x300xf32> to vector<128xf32>
    %broadcast_in_dim3A_248 = vector.shape_cast %reduce_sum3A_247 : vector<128xf32> to vector<128x1xf32>
    %slice3A_249 = vector.extract_strided_slice %sub3A_237 {offsets = [0, 600], sizes = [128, 300], strides = [1, 1]} : vector<128x1200xf32> to vector<128x300xf32>
    %reduce_sum3A_250 = arith.constant dense<0.000000e+00> : vector<128xf32>
    %reduce_sum3A_251 = vector.multi_reduction <add>, %slice3A_249, %reduce_sum3A_250 [1] : vector<128x300xf32> to vector<128xf32>
    %broadcast_in_dim3A_252 = vector.shape_cast %reduce_sum3A_251 : vector<128xf32> to vector<128x1xf32>
    %slice3A_253 = vector.extract_strided_slice %sub3A_237 {offsets = [0, 900], sizes = [128, 300], strides = [1, 1]} : vector<128x1200xf32> to vector<128x300xf32>
    %reduce_sum3A_254 = arith.constant dense<0.000000e+00> : vector<128xf32>
    %reduce_sum3A_255 = vector.multi_reduction <add>, %slice3A_253, %reduce_sum3A_254 [1] : vector<128x300xf32> to vector<128xf32>
    %broadcast_in_dim3A_256 = vector.shape_cast %reduce_sum3A_255 : vector<128xf32> to vector<128x1xf32>
    %get3A_257 = arith.constant 1 : index
    %get3A_258 = arith.constant 0 : index
    %get3A_259 = arith.constant 0 : index
    %get3A_260 = vector.load %arg2[%get3A_257, %get3A_258, %get3A_259] : memref<4x128x12xf32, #tpu.memory_space<vmem>>, vector<1x128x12xf32>
    %get3A_261 = vector.shape_cast %get3A_260 : vector<1x128x12xf32> to vector<128x12xf32>
    %slice3A_262 = vector.extract_strided_slice %get3A_261 {offsets = [0, 0], sizes = [128, 1], strides = [1, 1]} : vector<128x12xf32> to vector<128x1xf32>
    %get3A_263 = arith.constant 1 : index
    %get3A_264 = arith.constant 0 : index
    %get3A_265 = arith.constant 0 : index
    %get3A_266 = vector.load %arg2[%get3A_263, %get3A_264, %get3A_265] : memref<4x128x12xf32, #tpu.memory_space<vmem>>, vector<1x128x12xf32>
    %get3A_267 = vector.shape_cast %get3A_266 : vector<1x128x12xf32> to vector<128x12xf32>
    %slice3A_268 = vector.extract_strided_slice %get3A_267 {offsets = [0, 1], sizes = [128, 1], strides = [1, 1]} : vector<128x12xf32> to vector<128x1xf32>
    %get3A_269 = arith.constant 1 : index
    %get3A_270 = arith.constant 0 : index
    %get3A_271 = arith.constant 0 : index
    %get3A_272 = vector.load %arg2[%get3A_269, %get3A_270, %get3A_271] : memref<4x128x12xf32, #tpu.memory_space<vmem>>, vector<1x128x12xf32>
    %get3A_273 = vector.shape_cast %get3A_272 : vector<1x128x12xf32> to vector<128x12xf32>
    %slice3A_274 = vector.extract_strided_slice %get3A_273 {offsets = [0, 2], sizes = [128, 1], strides = [1, 1]} : vector<128x12xf32> to vector<128x1xf32>
    %broadcast_in_dim3A_275 = vector.shape_cast %slice3A_268 : vector<128x1xf32> to vector<128x1xf32>
    %broadcast_in_dim3A_276 = vector.broadcast %broadcast_in_dim3A_275 : vector<128x1xf32> to vector<128x300xf32>
    %broadcast_in_dim3A_277 = vector.shape_cast %slice3A_274 : vector<128x1xf32> to vector<128x1xf32>
    %broadcast_in_dim3A_278 = vector.broadcast %broadcast_in_dim3A_277 : vector<128x1xf32> to vector<128x300xf32>
    %select_n3A_279 = arith.select %eq3A_26, %broadcast_in_dim3A_276, %broadcast_in_dim3A_278 : vector<128x300xi1>, vector<128x300xf32>
    %broadcast_in_dim3A_280 = vector.shape_cast %slice3A_262 : vector<128x1xf32> to vector<128x1xf32>
    %broadcast_in_dim3A_281 = vector.broadcast %broadcast_in_dim3A_280 : vector<128x1xf32> to vector<128x300xf32>
    %select_n3A_282 = arith.select %eq3A_23, %broadcast_in_dim3A_281, %select_n3A_279 : vector<128x300xi1>, vector<128x300xf32>
    %get3A_283 = arith.constant 0 : index
    %get3A_284 = arith.constant 0 : index
    %get3A_285 = vector.load %arg0[%get3A_283, %get3A_284] : memref<128x1200xf32, #tpu.memory_space<vmem>>, vector<128x300xf32>
    %add3A_286 = arith.addf %get3A_285, %select_n3A_282 : vector<128x300xf32>
    %floor3A_287 = math.floor %add3A_286 : vector<128x300xf32>
    %sub3A_288 = arith.subf %add3A_286, %floor3A_287 : vector<128x300xf32>
    %sub3A_289 = arith.subf %get3A_1, %sub3A_288 : vector<128x300xf32>
    %get3A_290 = arith.constant 1 : index
    %get3A_291 = arith.constant 0 : index
    %get3A_292 = arith.constant 0 : index
    %get3A_293 = vector.load %arg2[%get3A_290, %get3A_291, %get3A_292] : memref<4x128x12xf32, #tpu.memory_space<vmem>>, vector<1x128x12xf32>
    %get3A_294 = vector.shape_cast %get3A_293 : vector<1x128x12xf32> to vector<128x12xf32>
    %slice3A_295 = vector.extract_strided_slice %get3A_294 {offsets = [0, 3], sizes = [128, 1], strides = [1, 1]} : vector<128x12xf32> to vector<128x1xf32>
    %get3A_296 = arith.constant 1 : index
    %get3A_297 = arith.constant 0 : index
    %get3A_298 = arith.constant 0 : index
    %get3A_299 = vector.load %arg2[%get3A_296, %get3A_297, %get3A_298] : memref<4x128x12xf32, #tpu.memory_space<vmem>>, vector<1x128x12xf32>
    %get3A_300 = vector.shape_cast %get3A_299 : vector<1x128x12xf32> to vector<128x12xf32>
    %slice3A_301 = vector.extract_strided_slice %get3A_300 {offsets = [0, 4], sizes = [128, 1], strides = [1, 1]} : vector<128x12xf32> to vector<128x1xf32>
    %get3A_302 = arith.constant 1 : index
    %get3A_303 = arith.constant 0 : index
    %get3A_304 = arith.constant 0 : index
    %get3A_305 = vector.load %arg2[%get3A_302, %get3A_303, %get3A_304] : memref<4x128x12xf32, #tpu.memory_space<vmem>>, vector<1x128x12xf32>
    %get3A_306 = vector.shape_cast %get3A_305 : vector<1x128x12xf32> to vector<128x12xf32>
    %slice3A_307 = vector.extract_strided_slice %get3A_306 {offsets = [0, 5], sizes = [128, 1], strides = [1, 1]} : vector<128x12xf32> to vector<128x1xf32>
    %broadcast_in_dim3A_308 = vector.shape_cast %slice3A_301 : vector<128x1xf32> to vector<128x1xf32>
    %broadcast_in_dim3A_309 = vector.broadcast %broadcast_in_dim3A_308 : vector<128x1xf32> to vector<128x300xf32>
    %broadcast_in_dim3A_310 = vector.shape_cast %slice3A_307 : vector<128x1xf32> to vector<128x1xf32>
    %broadcast_in_dim3A_311 = vector.broadcast %broadcast_in_dim3A_310 : vector<128x1xf32> to vector<128x300xf32>
    %select_n3A_312 = arith.select %eq3A_26, %broadcast_in_dim3A_309, %broadcast_in_dim3A_311 : vector<128x300xi1>, vector<128x300xf32>
    %broadcast_in_dim3A_313 = vector.shape_cast %slice3A_295 : vector<128x1xf32> to vector<128x1xf32>
    %broadcast_in_dim3A_314 = vector.broadcast %broadcast_in_dim3A_313 : vector<128x1xf32> to vector<128x300xf32>
    %select_n3A_315 = arith.select %eq3A_23, %broadcast_in_dim3A_314, %select_n3A_312 : vector<128x300xi1>, vector<128x300xf32>
    %get3A_316 = arith.constant 0 : index
    %get3A_317 = arith.constant 300 : index
    %get3A_318 = vector.load %arg0[%get3A_316, %get3A_317] : memref<128x1200xf32, #tpu.memory_space<vmem>>, vector<128x300xf32>
    %add3A_319 = arith.addf %get3A_318, %select_n3A_315 : vector<128x300xf32>
    %floor3A_320 = math.floor %add3A_319 : vector<128x300xf32>
    %sub3A_321 = arith.subf %add3A_319, %floor3A_320 : vector<128x300xf32>
    %sub3A_322 = arith.subf %get3A_1, %sub3A_321 : vector<128x300xf32>
    %get3A_323 = arith.constant 1 : index
    %get3A_324 = arith.constant 0 : index
    %get3A_325 = arith.constant 0 : index
    %get3A_326 = vector.load %arg2[%get3A_323, %get3A_324, %get3A_325] : memref<4x128x12xf32, #tpu.memory_space<vmem>>, vector<1x128x12xf32>
    %get3A_327 = vector.shape_cast %get3A_326 : vector<1x128x12xf32> to vector<128x12xf32>
    %slice3A_328 = vector.extract_strided_slice %get3A_327 {offsets = [0, 6], sizes = [128, 1], strides = [1, 1]} : vector<128x12xf32> to vector<128x1xf32>
    %get3A_329 = arith.constant 1 : index
    %get3A_330 = arith.constant 0 : index
    %get3A_331 = arith.constant 0 : index
    %get3A_332 = vector.load %arg2[%get3A_329, %get3A_330, %get3A_331] : memref<4x128x12xf32, #tpu.memory_space<vmem>>, vector<1x128x12xf32>
    %get3A_333 = vector.shape_cast %get3A_332 : vector<1x128x12xf32> to vector<128x12xf32>
    %slice3A_334 = vector.extract_strided_slice %get3A_333 {offsets = [0, 7], sizes = [128, 1], strides = [1, 1]} : vector<128x12xf32> to vector<128x1xf32>
    %get3A_335 = arith.constant 1 : index
    %get3A_336 = arith.constant 0 : index
    %get3A_337 = arith.constant 0 : index
    %get3A_338 = vector.load %arg2[%get3A_335, %get3A_336, %get3A_337] : memref<4x128x12xf32, #tpu.memory_space<vmem>>, vector<1x128x12xf32>
    %get3A_339 = vector.shape_cast %get3A_338 : vector<1x128x12xf32> to vector<128x12xf32>
    %slice3A_340 = vector.extract_strided_slice %get3A_339 {offsets = [0, 8], sizes = [128, 1], strides = [1, 1]} : vector<128x12xf32> to vector<128x1xf32>
    %broadcast_in_dim3A_341 = vector.shape_cast %slice3A_334 : vector<128x1xf32> to vector<128x1xf32>
    %broadcast_in_dim3A_342 = vector.broadcast %broadcast_in_dim3A_341 : vector<128x1xf32> to vector<128x300xf32>
    %broadcast_in_dim3A_343 = vector.shape_cast %slice3A_340 : vector<128x1xf32> to vector<128x1xf32>
    %broadcast_in_dim3A_344 = vector.broadcast %broadcast_in_dim3A_343 : vector<128x1xf32> to vector<128x300xf32>
    %select_n3A_345 = arith.select %eq3A_26, %broadcast_in_dim3A_342, %broadcast_in_dim3A_344 : vector<128x300xi1>, vector<128x300xf32>
    %broadcast_in_dim3A_346 = vector.shape_cast %slice3A_328 : vector<128x1xf32> to vector<128x1xf32>
    %broadcast_in_dim3A_347 = vector.broadcast %broadcast_in_dim3A_346 : vector<128x1xf32> to vector<128x300xf32>
    %select_n3A_348 = arith.select %eq3A_23, %broadcast_in_dim3A_347, %select_n3A_345 : vector<128x300xi1>, vector<128x300xf32>
    %get3A_349 = arith.constant 0 : index
    %get3A_350 = arith.constant 600 : index
    %get3A_351 = vector.load %arg0[%get3A_349, %get3A_350] : memref<128x1200xf32, #tpu.memory_space<vmem>>, vector<128x300xf32>
    %add3A_352 = arith.addf %get3A_351, %select_n3A_348 : vector<128x300xf32>
    %floor3A_353 = math.floor %add3A_352 : vector<128x300xf32>
    %sub3A_354 = arith.subf %add3A_352, %floor3A_353 : vector<128x300xf32>
    %sub3A_355 = arith.subf %get3A_1, %sub3A_354 : vector<128x300xf32>
    %get3A_356 = arith.constant 1 : index
    %get3A_357 = arith.constant 0 : index
    %get3A_358 = arith.constant 0 : index
    %get3A_359 = vector.load %arg2[%get3A_356, %get3A_357, %get3A_358] : memref<4x128x12xf32, #tpu.memory_space<vmem>>, vector<1x128x12xf32>
    %get3A_360 = vector.shape_cast %get3A_359 : vector<1x128x12xf32> to vector<128x12xf32>
    %slice3A_361 = vector.extract_strided_slice %get3A_360 {offsets = [0, 9], sizes = [128, 1], strides = [1, 1]} : vector<128x12xf32> to vector<128x1xf32>
    %get3A_362 = arith.constant 1 : index
    %get3A_363 = arith.constant 0 : index
    %get3A_364 = arith.constant 0 : index
    %get3A_365 = vector.load %arg2[%get3A_362, %get3A_363, %get3A_364] : memref<4x128x12xf32, #tpu.memory_space<vmem>>, vector<1x128x12xf32>
    %get3A_366 = vector.shape_cast %get3A_365 : vector<1x128x12xf32> to vector<128x12xf32>
    %slice3A_367 = vector.extract_strided_slice %get3A_366 {offsets = [0, 10], sizes = [128, 1], strides = [1, 1]} : vector<128x12xf32> to vector<128x1xf32>
    %get3A_368 = arith.constant 1 : index
    %get3A_369 = arith.constant 0 : index
    %get3A_370 = arith.constant 0 : index
    %get3A_371 = vector.load %arg2[%get3A_368, %get3A_369, %get3A_370] : memref<4x128x12xf32, #tpu.memory_space<vmem>>, vector<1x128x12xf32>
    %get3A_372 = vector.shape_cast %get3A_371 : vector<1x128x12xf32> to vector<128x12xf32>
    %slice3A_373 = vector.extract_strided_slice %get3A_372 {offsets = [0, 11], sizes = [128, 1], strides = [1, 1]} : vector<128x12xf32> to vector<128x1xf32>
    %broadcast_in_dim3A_374 = vector.shape_cast %slice3A_367 : vector<128x1xf32> to vector<128x1xf32>
    %broadcast_in_dim3A_375 = vector.broadcast %broadcast_in_dim3A_374 : vector<128x1xf32> to vector<128x300xf32>
    %broadcast_in_dim3A_376 = vector.shape_cast %slice3A_373 : vector<128x1xf32> to vector<128x1xf32>
    %broadcast_in_dim3A_377 = vector.broadcast %broadcast_in_dim3A_376 : vector<128x1xf32> to vector<128x300xf32>
    %select_n3A_378 = arith.select %eq3A_26, %broadcast_in_dim3A_375, %broadcast_in_dim3A_377 : vector<128x300xi1>, vector<128x300xf32>
    %broadcast_in_dim3A_379 = vector.shape_cast %slice3A_361 : vector<128x1xf32> to vector<128x1xf32>
    %broadcast_in_dim3A_380 = vector.broadcast %broadcast_in_dim3A_379 : vector<128x1xf32> to vector<128x300xf32>
    %select_n3A_381 = arith.select %eq3A_23, %broadcast_in_dim3A_380, %select_n3A_378 : vector<128x300xi1>, vector<128x300xf32>
    %get3A_382 = arith.constant 0 : index
    %get3A_383 = arith.constant 900 : index
    %get3A_384 = vector.load %arg0[%get3A_382, %get3A_383] : memref<128x1200xf32, #tpu.memory_space<vmem>>, vector<128x300xf32>
    %add3A_385 = arith.addf %get3A_384, %select_n3A_381 : vector<128x300xf32>
    %floor3A_386 = math.floor %add3A_385 : vector<128x300xf32>
    %sub3A_387 = arith.subf %add3A_385, %floor3A_386 : vector<128x300xf32>
    %sub3A_388 = arith.subf %get3A_1, %sub3A_387 : vector<128x300xf32>
    %concatenate3A_389 = tpu.concatenate %sub3A_289, %sub3A_322, %sub3A_355, %sub3A_388 in 1 : vector<128x300xf32>, vector<128x300xf32>, vector<128x300xf32>, vector<128x300xf32> -> vector<128x1200xf32>
    %round3A_390 = math.roundeven %concatenate3A_389 : vector<128x1200xf32>
    %sub3A_391 = arith.subf %concatenate3A_389, %round3A_390 : vector<128x1200xf32>
    %mul3A_392 = arith.mulf %sub3A_391, %mul3A_29 : vector<128x1200xf32>
    %add3A_393 = arith.addf %mul3A_392, %mul3A_392 : vector<128x1200xf32>
    %broadcast_in_dim3A_394 = arith.constant 1.000000e+00 : f32
    %broadcast_in_dim3A_395 = vector.broadcast %broadcast_in_dim3A_394 : f32 to vector<128x1200xf32>
    %mul3A_396 = arith.constant 1.000000e+00 : f32
    %mul3A_397 = vector.broadcast %mul3A_396 : f32 to vector<128x1200xf32>
    %mul3A_398 = arith.mulf %mul3A_397, %add3A_393 : vector<128x1200xf32>
    %sub3A_399 = arith.subf %mul3A_398, %mul3A_29 : vector<128x1200xf32>
    %exp3A_400 = math.exp %sub3A_399 : vector<128x1200xf32>
    %add3A_401 = arith.addf %broadcast_in_dim3A_395, %exp3A_400 : vector<128x1200xf32>
    %sub3A_402 = arith.constant 1.000000e+00 : f32
    %sub3A_403 = vector.broadcast %sub3A_402 : f32 to vector<128x1200xf32>
    %sub3A_404 = arith.subf %sub3A_391, %sub3A_403 : vector<128x1200xf32>
    %mul3A_405 = arith.mulf %exp3A_400, %sub3A_404 : vector<128x1200xf32>
    %add3A_406 = arith.addf %sub3A_391, %mul3A_405 : vector<128x1200xf32>
    %mul3A_407 = arith.constant 2.000000e+00 : f32
    %mul3A_408 = vector.broadcast %mul3A_407 : f32 to vector<128x1200xf32>
    %mul3A_409 = arith.mulf %mul3A_408, %add3A_393 : vector<128x1200xf32>
    %sub3A_410 = arith.subf %mul3A_409, %mul3A_32 : vector<128x1200xf32>
    %exp3A_411 = math.exp %sub3A_410 : vector<128x1200xf32>
    %add3A_412 = arith.addf %add3A_401, %exp3A_411 : vector<128x1200xf32>
    %sub3A_413 = arith.constant 2.000000e+00 : f32
    %sub3A_414 = vector.broadcast %sub3A_413 : f32 to vector<128x1200xf32>
    %sub3A_415 = arith.subf %sub3A_391, %sub3A_414 : vector<128x1200xf32>
    %mul3A_416 = arith.mulf %exp3A_411, %sub3A_415 : vector<128x1200xf32>
    %add3A_417 = arith.addf %add3A_406, %mul3A_416 : vector<128x1200xf32>
    %mul3A_418 = arith.constant 3.000000e+00 : f32
    %mul3A_419 = vector.broadcast %mul3A_418 : f32 to vector<128x1200xf32>
    %mul3A_420 = arith.mulf %mul3A_419, %add3A_393 : vector<128x1200xf32>
    %sub3A_421 = arith.subf %mul3A_420, %mul3A_35 : vector<128x1200xf32>
    %exp3A_422 = math.exp %sub3A_421 : vector<128x1200xf32>
    %add3A_423 = arith.addf %add3A_412, %exp3A_422 : vector<128x1200xf32>
    %sub3A_424 = arith.constant 3.000000e+00 : f32
    %sub3A_425 = vector.broadcast %sub3A_424 : f32 to vector<128x1200xf32>
    %sub3A_426 = arith.subf %sub3A_391, %sub3A_425 : vector<128x1200xf32>
    %mul3A_427 = arith.mulf %exp3A_422, %sub3A_426 : vector<128x1200xf32>
    %add3A_428 = arith.addf %add3A_417, %mul3A_427 : vector<128x1200xf32>
    %mul3A_429 = arith.constant -1.000000e+00 : f32
    %mul3A_430 = vector.broadcast %mul3A_429 : f32 to vector<128x1200xf32>
    %mul3A_431 = arith.mulf %mul3A_430, %add3A_393 : vector<128x1200xf32>
    %sub3A_432 = arith.subf %mul3A_431, %mul3A_29 : vector<128x1200xf32>
    %exp3A_433 = math.exp %sub3A_432 : vector<128x1200xf32>
    %add3A_434 = arith.addf %add3A_423, %exp3A_433 : vector<128x1200xf32>
    %sub3A_435 = arith.constant -1.000000e+00 : f32
    %sub3A_436 = vector.broadcast %sub3A_435 : f32 to vector<128x1200xf32>
    %sub3A_437 = arith.subf %sub3A_391, %sub3A_436 : vector<128x1200xf32>
    %mul3A_438 = arith.mulf %exp3A_433, %sub3A_437 : vector<128x1200xf32>
    %add3A_439 = arith.addf %add3A_428, %mul3A_438 : vector<128x1200xf32>
    %mul3A_440 = arith.constant -2.000000e+00 : f32
    %mul3A_441 = vector.broadcast %mul3A_440 : f32 to vector<128x1200xf32>
    %mul3A_442 = arith.mulf %mul3A_441, %add3A_393 : vector<128x1200xf32>
    %sub3A_443 = arith.subf %mul3A_442, %mul3A_32 : vector<128x1200xf32>
    %exp3A_444 = math.exp %sub3A_443 : vector<128x1200xf32>
    %add3A_445 = arith.addf %add3A_434, %exp3A_444 : vector<128x1200xf32>
    %sub3A_446 = arith.constant -2.000000e+00 : f32
    %sub3A_447 = vector.broadcast %sub3A_446 : f32 to vector<128x1200xf32>
    %sub3A_448 = arith.subf %sub3A_391, %sub3A_447 : vector<128x1200xf32>
    %mul3A_449 = arith.mulf %exp3A_444, %sub3A_448 : vector<128x1200xf32>
    %add3A_450 = arith.addf %add3A_439, %mul3A_449 : vector<128x1200xf32>
    %mul3A_451 = arith.constant -3.000000e+00 : f32
    %mul3A_452 = vector.broadcast %mul3A_451 : f32 to vector<128x1200xf32>
    %mul3A_453 = arith.mulf %mul3A_452, %add3A_393 : vector<128x1200xf32>
    %sub3A_454 = arith.subf %mul3A_453, %mul3A_35 : vector<128x1200xf32>
    %exp3A_455 = math.exp %sub3A_454 : vector<128x1200xf32>
    %add3A_456 = arith.addf %add3A_445, %exp3A_455 : vector<128x1200xf32>
    %sub3A_457 = arith.constant -3.000000e+00 : f32
    %sub3A_458 = vector.broadcast %sub3A_457 : f32 to vector<128x1200xf32>
    %sub3A_459 = arith.subf %sub3A_391, %sub3A_458 : vector<128x1200xf32>
    %mul3A_460 = arith.mulf %exp3A_455, %sub3A_459 : vector<128x1200xf32>
    %add3A_461 = arith.addf %add3A_450, %mul3A_460 : vector<128x1200xf32>
    %log3A_462 = math.log %add3A_456 : vector<128x1200xf32>
    %mul3A_463 = arith.mulf %sub3A_391, %mul3A_392 : vector<128x1200xf32>
    %sub3A_464 = arith.subf %log3A_462, %mul3A_463 : vector<128x1200xf32>
    %div3A_465 = arith.divf %add3A_461, %add3A_456 : vector<128x1200xf32>
    %neg3A_466 = arith.constant 0.000000e+00 : f32
    %neg3A_467 = vector.broadcast %neg3A_466 : f32 to vector<128x1200xf32>
    %neg3A_468 = arith.subf %neg3A_467, %div3A_465 : vector<128x1200xf32>
    %mul3A_469 = arith.mulf %neg3A_468, %add3A_36 : vector<128x1200xf32>
    %slice3A_470 = vector.extract_strided_slice %sub3A_464 {offsets = [0, 0], sizes = [128, 300], strides = [1, 1]} : vector<128x1200xf32> to vector<128x300xf32>
    %reduce_sum3A_471 = arith.constant dense<0.000000e+00> : vector<128xf32>
    %reduce_sum3A_472 = vector.multi_reduction <add>, %slice3A_470, %reduce_sum3A_471 [1] : vector<128x300xf32> to vector<128xf32>
    %broadcast_in_dim3A_473 = vector.shape_cast %reduce_sum3A_472 : vector<128xf32> to vector<128x1xf32>
    %slice3A_474 = vector.extract_strided_slice %sub3A_464 {offsets = [0, 300], sizes = [128, 300], strides = [1, 1]} : vector<128x1200xf32> to vector<128x300xf32>
    %reduce_sum3A_475 = arith.constant dense<0.000000e+00> : vector<128xf32>
    %reduce_sum3A_476 = vector.multi_reduction <add>, %slice3A_474, %reduce_sum3A_475 [1] : vector<128x300xf32> to vector<128xf32>
    %broadcast_in_dim3A_477 = vector.shape_cast %reduce_sum3A_476 : vector<128xf32> to vector<128x1xf32>
    %slice3A_478 = vector.extract_strided_slice %sub3A_464 {offsets = [0, 600], sizes = [128, 300], strides = [1, 1]} : vector<128x1200xf32> to vector<128x300xf32>
    %reduce_sum3A_479 = arith.constant dense<0.000000e+00> : vector<128xf32>
    %reduce_sum3A_480 = vector.multi_reduction <add>, %slice3A_478, %reduce_sum3A_479 [1] : vector<128x300xf32> to vector<128xf32>
    %broadcast_in_dim3A_481 = vector.shape_cast %reduce_sum3A_480 : vector<128xf32> to vector<128x1xf32>
    %slice3A_482 = vector.extract_strided_slice %sub3A_464 {offsets = [0, 900], sizes = [128, 300], strides = [1, 1]} : vector<128x1200xf32> to vector<128x300xf32>
    %reduce_sum3A_483 = arith.constant dense<0.000000e+00> : vector<128xf32>
    %reduce_sum3A_484 = vector.multi_reduction <add>, %slice3A_482, %reduce_sum3A_483 [1] : vector<128x300xf32> to vector<128xf32>
    %broadcast_in_dim3A_485 = vector.shape_cast %reduce_sum3A_484 : vector<128xf32> to vector<128x1xf32>
    %get3A_486 = arith.constant 2 : index
    %get3A_487 = arith.constant 0 : index
    %get3A_488 = arith.constant 0 : index
    %get3A_489 = vector.load %arg2[%get3A_486, %get3A_487, %get3A_488] : memref<4x128x12xf32, #tpu.memory_space<vmem>>, vector<1x128x12xf32>
    %get3A_490 = vector.shape_cast %get3A_489 : vector<1x128x12xf32> to vector<128x12xf32>
    %slice3A_491 = vector.extract_strided_slice %get3A_490 {offsets = [0, 0], sizes = [128, 1], strides = [1, 1]} : vector<128x12xf32> to vector<128x1xf32>
    %get3A_492 = arith.constant 2 : index
    %get3A_493 = arith.constant 0 : index
    %get3A_494 = arith.constant 0 : index
    %get3A_495 = vector.load %arg2[%get3A_492, %get3A_493, %get3A_494] : memref<4x128x12xf32, #tpu.memory_space<vmem>>, vector<1x128x12xf32>
    %get3A_496 = vector.shape_cast %get3A_495 : vector<1x128x12xf32> to vector<128x12xf32>
    %slice3A_497 = vector.extract_strided_slice %get3A_496 {offsets = [0, 1], sizes = [128, 1], strides = [1, 1]} : vector<128x12xf32> to vector<128x1xf32>
    %get3A_498 = arith.constant 2 : index
    %get3A_499 = arith.constant 0 : index
    %get3A_500 = arith.constant 0 : index
    %get3A_501 = vector.load %arg2[%get3A_498, %get3A_499, %get3A_500] : memref<4x128x12xf32, #tpu.memory_space<vmem>>, vector<1x128x12xf32>
    %get3A_502 = vector.shape_cast %get3A_501 : vector<1x128x12xf32> to vector<128x12xf32>
    %slice3A_503 = vector.extract_strided_slice %get3A_502 {offsets = [0, 2], sizes = [128, 1], strides = [1, 1]} : vector<128x12xf32> to vector<128x1xf32>
    %broadcast_in_dim3A_504 = vector.shape_cast %slice3A_497 : vector<128x1xf32> to vector<128x1xf32>
    %broadcast_in_dim3A_505 = vector.broadcast %broadcast_in_dim3A_504 : vector<128x1xf32> to vector<128x300xf32>
    %broadcast_in_dim3A_506 = vector.shape_cast %slice3A_503 : vector<128x1xf32> to vector<128x1xf32>
    %broadcast_in_dim3A_507 = vector.broadcast %broadcast_in_dim3A_506 : vector<128x1xf32> to vector<128x300xf32>
    %select_n3A_508 = arith.select %eq3A_26, %broadcast_in_dim3A_505, %broadcast_in_dim3A_507 : vector<128x300xi1>, vector<128x300xf32>
    %broadcast_in_dim3A_509 = vector.shape_cast %slice3A_491 : vector<128x1xf32> to vector<128x1xf32>
    %broadcast_in_dim3A_510 = vector.broadcast %broadcast_in_dim3A_509 : vector<128x1xf32> to vector<128x300xf32>
    %select_n3A_511 = arith.select %eq3A_23, %broadcast_in_dim3A_510, %select_n3A_508 : vector<128x300xi1>, vector<128x300xf32>
    %get3A_512 = arith.constant 0 : index
    %get3A_513 = arith.constant 0 : index
    %get3A_514 = vector.load %arg0[%get3A_512, %get3A_513] : memref<128x1200xf32, #tpu.memory_space<vmem>>, vector<128x300xf32>
    %add3A_515 = arith.addf %get3A_514, %select_n3A_511 : vector<128x300xf32>
    %floor3A_516 = math.floor %add3A_515 : vector<128x300xf32>
    %sub3A_517 = arith.subf %add3A_515, %floor3A_516 : vector<128x300xf32>
    %sub3A_518 = arith.subf %get3A_1, %sub3A_517 : vector<128x300xf32>
    %get3A_519 = arith.constant 2 : index
    %get3A_520 = arith.constant 0 : index
    %get3A_521 = arith.constant 0 : index
    %get3A_522 = vector.load %arg2[%get3A_519, %get3A_520, %get3A_521] : memref<4x128x12xf32, #tpu.memory_space<vmem>>, vector<1x128x12xf32>
    %get3A_523 = vector.shape_cast %get3A_522 : vector<1x128x12xf32> to vector<128x12xf32>
    %slice3A_524 = vector.extract_strided_slice %get3A_523 {offsets = [0, 3], sizes = [128, 1], strides = [1, 1]} : vector<128x12xf32> to vector<128x1xf32>
    %get3A_525 = arith.constant 2 : index
    %get3A_526 = arith.constant 0 : index
    %get3A_527 = arith.constant 0 : index
    %get3A_528 = vector.load %arg2[%get3A_525, %get3A_526, %get3A_527] : memref<4x128x12xf32, #tpu.memory_space<vmem>>, vector<1x128x12xf32>
    %get3A_529 = vector.shape_cast %get3A_528 : vector<1x128x12xf32> to vector<128x12xf32>
    %slice3A_530 = vector.extract_strided_slice %get3A_529 {offsets = [0, 4], sizes = [128, 1], strides = [1, 1]} : vector<128x12xf32> to vector<128x1xf32>
    %get3A_531 = arith.constant 2 : index
    %get3A_532 = arith.constant 0 : index
    %get3A_533 = arith.constant 0 : index
    %get3A_534 = vector.load %arg2[%get3A_531, %get3A_532, %get3A_533] : memref<4x128x12xf32, #tpu.memory_space<vmem>>, vector<1x128x12xf32>
    %get3A_535 = vector.shape_cast %get3A_534 : vector<1x128x12xf32> to vector<128x12xf32>
    %slice3A_536 = vector.extract_strided_slice %get3A_535 {offsets = [0, 5], sizes = [128, 1], strides = [1, 1]} : vector<128x12xf32> to vector<128x1xf32>
    %broadcast_in_dim3A_537 = vector.shape_cast %slice3A_530 : vector<128x1xf32> to vector<128x1xf32>
    %broadcast_in_dim3A_538 = vector.broadcast %broadcast_in_dim3A_537 : vector<128x1xf32> to vector<128x300xf32>
    %broadcast_in_dim3A_539 = vector.shape_cast %slice3A_536 : vector<128x1xf32> to vector<128x1xf32>
    %broadcast_in_dim3A_540 = vector.broadcast %broadcast_in_dim3A_539 : vector<128x1xf32> to vector<128x300xf32>
    %select_n3A_541 = arith.select %eq3A_26, %broadcast_in_dim3A_538, %broadcast_in_dim3A_540 : vector<128x300xi1>, vector<128x300xf32>
    %broadcast_in_dim3A_542 = vector.shape_cast %slice3A_524 : vector<128x1xf32> to vector<128x1xf32>
    %broadcast_in_dim3A_543 = vector.broadcast %broadcast_in_dim3A_542 : vector<128x1xf32> to vector<128x300xf32>
    %select_n3A_544 = arith.select %eq3A_23, %broadcast_in_dim3A_543, %select_n3A_541 : vector<128x300xi1>, vector<128x300xf32>
    %get3A_545 = arith.constant 0 : index
    %get3A_546 = arith.constant 300 : index
    %get3A_547 = vector.load %arg0[%get3A_545, %get3A_546] : memref<128x1200xf32, #tpu.memory_space<vmem>>, vector<128x300xf32>
    %add3A_548 = arith.addf %get3A_547, %select_n3A_544 : vector<128x300xf32>
    %floor3A_549 = math.floor %add3A_548 : vector<128x300xf32>
    %sub3A_550 = arith.subf %add3A_548, %floor3A_549 : vector<128x300xf32>
    %sub3A_551 = arith.subf %get3A_1, %sub3A_550 : vector<128x300xf32>
    %get3A_552 = arith.constant 2 : index
    %get3A_553 = arith.constant 0 : index
    %get3A_554 = arith.constant 0 : index
    %get3A_555 = vector.load %arg2[%get3A_552, %get3A_553, %get3A_554] : memref<4x128x12xf32, #tpu.memory_space<vmem>>, vector<1x128x12xf32>
    %get3A_556 = vector.shape_cast %get3A_555 : vector<1x128x12xf32> to vector<128x12xf32>
    %slice3A_557 = vector.extract_strided_slice %get3A_556 {offsets = [0, 6], sizes = [128, 1], strides = [1, 1]} : vector<128x12xf32> to vector<128x1xf32>
    %get3A_558 = arith.constant 2 : index
    %get3A_559 = arith.constant 0 : index
    %get3A_560 = arith.constant 0 : index
    %get3A_561 = vector.load %arg2[%get3A_558, %get3A_559, %get3A_560] : memref<4x128x12xf32, #tpu.memory_space<vmem>>, vector<1x128x12xf32>
    %get3A_562 = vector.shape_cast %get3A_561 : vector<1x128x12xf32> to vector<128x12xf32>
    %slice3A_563 = vector.extract_strided_slice %get3A_562 {offsets = [0, 7], sizes = [128, 1], strides = [1, 1]} : vector<128x12xf32> to vector<128x1xf32>
    %get3A_564 = arith.constant 2 : index
    %get3A_565 = arith.constant 0 : index
    %get3A_566 = arith.constant 0 : index
    %get3A_567 = vector.load %arg2[%get3A_564, %get3A_565, %get3A_566] : memref<4x128x12xf32, #tpu.memory_space<vmem>>, vector<1x128x12xf32>
    %get3A_568 = vector.shape_cast %get3A_567 : vector<1x128x12xf32> to vector<128x12xf32>
    %slice3A_569 = vector.extract_strided_slice %get3A_568 {offsets = [0, 8], sizes = [128, 1], strides = [1, 1]} : vector<128x12xf32> to vector<128x1xf32>
    %broadcast_in_dim3A_570 = vector.shape_cast %slice3A_563 : vector<128x1xf32> to vector<128x1xf32>
    %broadcast_in_dim3A_571 = vector.broadcast %broadcast_in_dim3A_570 : vector<128x1xf32> to vector<128x300xf32>
    %broadcast_in_dim3A_572 = vector.shape_cast %slice3A_569 : vector<128x1xf32> to vector<128x1xf32>
    %broadcast_in_dim3A_573 = vector.broadcast %broadcast_in_dim3A_572 : vector<128x1xf32> to vector<128x300xf32>
    %select_n3A_574 = arith.select %eq3A_26, %broadcast_in_dim3A_571, %broadcast_in_dim3A_573 : vector<128x300xi1>, vector<128x300xf32>
    %broadcast_in_dim3A_575 = vector.shape_cast %slice3A_557 : vector<128x1xf32> to vector<128x1xf32>
    %broadcast_in_dim3A_576 = vector.broadcast %broadcast_in_dim3A_575 : vector<128x1xf32> to vector<128x300xf32>
    %select_n3A_577 = arith.select %eq3A_23, %broadcast_in_dim3A_576, %select_n3A_574 : vector<128x300xi1>, vector<128x300xf32>
    %get3A_578 = arith.constant 0 : index
    %get3A_579 = arith.constant 600 : index
    %get3A_580 = vector.load %arg0[%get3A_578, %get3A_579] : memref<128x1200xf32, #tpu.memory_space<vmem>>, vector<128x300xf32>
    %add3A_581 = arith.addf %get3A_580, %select_n3A_577 : vector<128x300xf32>
    %floor3A_582 = math.floor %add3A_581 : vector<128x300xf32>
    %sub3A_583 = arith.subf %add3A_581, %floor3A_582 : vector<128x300xf32>
    %sub3A_584 = arith.subf %get3A_1, %sub3A_583 : vector<128x300xf32>
    %get3A_585 = arith.constant 2 : index
    %get3A_586 = arith.constant 0 : index
    %get3A_587 = arith.constant 0 : index
    %get3A_588 = vector.load %arg2[%get3A_585, %get3A_586, %get3A_587] : memref<4x128x12xf32, #tpu.memory_space<vmem>>, vector<1x128x12xf32>
    %get3A_589 = vector.shape_cast %get3A_588 : vector<1x128x12xf32> to vector<128x12xf32>
    %slice3A_590 = vector.extract_strided_slice %get3A_589 {offsets = [0, 9], sizes = [128, 1], strides = [1, 1]} : vector<128x12xf32> to vector<128x1xf32>
    %get3A_591 = arith.constant 2 : index
    %get3A_592 = arith.constant 0 : index
    %get3A_593 = arith.constant 0 : index
    %get3A_594 = vector.load %arg2[%get3A_591, %get3A_592, %get3A_593] : memref<4x128x12xf32, #tpu.memory_space<vmem>>, vector<1x128x12xf32>
    %get3A_595 = vector.shape_cast %get3A_594 : vector<1x128x12xf32> to vector<128x12xf32>
    %slice3A_596 = vector.extract_strided_slice %get3A_595 {offsets = [0, 10], sizes = [128, 1], strides = [1, 1]} : vector<128x12xf32> to vector<128x1xf32>
    %get3A_597 = arith.constant 2 : index
    %get3A_598 = arith.constant 0 : index
    %get3A_599 = arith.constant 0 : index
    %get3A_600 = vector.load %arg2[%get3A_597, %get3A_598, %get3A_599] : memref<4x128x12xf32, #tpu.memory_space<vmem>>, vector<1x128x12xf32>
    %get3A_601 = vector.shape_cast %get3A_600 : vector<1x128x12xf32> to vector<128x12xf32>
    %slice3A_602 = vector.extract_strided_slice %get3A_601 {offsets = [0, 11], sizes = [128, 1], strides = [1, 1]} : vector<128x12xf32> to vector<128x1xf32>
    %broadcast_in_dim3A_603 = vector.shape_cast %slice3A_596 : vector<128x1xf32> to vector<128x1xf32>
    %broadcast_in_dim3A_604 = vector.broadcast %broadcast_in_dim3A_603 : vector<128x1xf32> to vector<128x300xf32>
    %broadcast_in_dim3A_605 = vector.shape_cast %slice3A_602 : vector<128x1xf32> to vector<128x1xf32>
    %broadcast_in_dim3A_606 = vector.broadcast %broadcast_in_dim3A_605 : vector<128x1xf32> to vector<128x300xf32>
    %select_n3A_607 = arith.select %eq3A_26, %broadcast_in_dim3A_604, %broadcast_in_dim3A_606 : vector<128x300xi1>, vector<128x300xf32>
    %broadcast_in_dim3A_608 = vector.shape_cast %slice3A_590 : vector<128x1xf32> to vector<128x1xf32>
    %broadcast_in_dim3A_609 = vector.broadcast %broadcast_in_dim3A_608 : vector<128x1xf32> to vector<128x300xf32>
    %select_n3A_610 = arith.select %eq3A_23, %broadcast_in_dim3A_609, %select_n3A_607 : vector<128x300xi1>, vector<128x300xf32>
    %get3A_611 = arith.constant 0 : index
    %get3A_612 = arith.constant 900 : index
    %get3A_613 = vector.load %arg0[%get3A_611, %get3A_612] : memref<128x1200xf32, #tpu.memory_space<vmem>>, vector<128x300xf32>
    %add3A_614 = arith.addf %get3A_613, %select_n3A_610 : vector<128x300xf32>
    %floor3A_615 = math.floor %add3A_614 : vector<128x300xf32>
    %sub3A_616 = arith.subf %add3A_614, %floor3A_615 : vector<128x300xf32>
    %sub3A_617 = arith.subf %get3A_1, %sub3A_616 : vector<128x300xf32>
    %concatenate3A_618 = tpu.concatenate %sub3A_518, %sub3A_551, %sub3A_584, %sub3A_617 in 1 : vector<128x300xf32>, vector<128x300xf32>, vector<128x300xf32>, vector<128x300xf32> -> vector<128x1200xf32>
    %round3A_619 = math.roundeven %concatenate3A_618 : vector<128x1200xf32>
    %sub3A_620 = arith.subf %concatenate3A_618, %round3A_619 : vector<128x1200xf32>
    %mul3A_621 = arith.mulf %sub3A_620, %mul3A_29 : vector<128x1200xf32>
    %add3A_622 = arith.addf %mul3A_621, %mul3A_621 : vector<128x1200xf32>
    %broadcast_in_dim3A_623 = arith.constant 1.000000e+00 : f32
    %broadcast_in_dim3A_624 = vector.broadcast %broadcast_in_dim3A_623 : f32 to vector<128x1200xf32>
    %mul3A_625 = arith.constant 1.000000e+00 : f32
    %mul3A_626 = vector.broadcast %mul3A_625 : f32 to vector<128x1200xf32>
    %mul3A_627 = arith.mulf %mul3A_626, %add3A_622 : vector<128x1200xf32>
    %sub3A_628 = arith.subf %mul3A_627, %mul3A_29 : vector<128x1200xf32>
    %exp3A_629 = math.exp %sub3A_628 : vector<128x1200xf32>
    %add3A_630 = arith.addf %broadcast_in_dim3A_624, %exp3A_629 : vector<128x1200xf32>
    %sub3A_631 = arith.constant 1.000000e+00 : f32
    %sub3A_632 = vector.broadcast %sub3A_631 : f32 to vector<128x1200xf32>
    %sub3A_633 = arith.subf %sub3A_620, %sub3A_632 : vector<128x1200xf32>
    %mul3A_634 = arith.mulf %exp3A_629, %sub3A_633 : vector<128x1200xf32>
    %add3A_635 = arith.addf %sub3A_620, %mul3A_634 : vector<128x1200xf32>
    %mul3A_636 = arith.constant 2.000000e+00 : f32
    %mul3A_637 = vector.broadcast %mul3A_636 : f32 to vector<128x1200xf32>
    %mul3A_638 = arith.mulf %mul3A_637, %add3A_622 : vector<128x1200xf32>
    %sub3A_639 = arith.subf %mul3A_638, %mul3A_32 : vector<128x1200xf32>
    %exp3A_640 = math.exp %sub3A_639 : vector<128x1200xf32>
    %add3A_641 = arith.addf %add3A_630, %exp3A_640 : vector<128x1200xf32>
    %sub3A_642 = arith.constant 2.000000e+00 : f32
    %sub3A_643 = vector.broadcast %sub3A_642 : f32 to vector<128x1200xf32>
    %sub3A_644 = arith.subf %sub3A_620, %sub3A_643 : vector<128x1200xf32>
    %mul3A_645 = arith.mulf %exp3A_640, %sub3A_644 : vector<128x1200xf32>
    %add3A_646 = arith.addf %add3A_635, %mul3A_645 : vector<128x1200xf32>
    %mul3A_647 = arith.constant 3.000000e+00 : f32
    %mul3A_648 = vector.broadcast %mul3A_647 : f32 to vector<128x1200xf32>
    %mul3A_649 = arith.mulf %mul3A_648, %add3A_622 : vector<128x1200xf32>
    %sub3A_650 = arith.subf %mul3A_649, %mul3A_35 : vector<128x1200xf32>
    %exp3A_651 = math.exp %sub3A_650 : vector<128x1200xf32>
    %add3A_652 = arith.addf %add3A_641, %exp3A_651 : vector<128x1200xf32>
    %sub3A_653 = arith.constant 3.000000e+00 : f32
    %sub3A_654 = vector.broadcast %sub3A_653 : f32 to vector<128x1200xf32>
    %sub3A_655 = arith.subf %sub3A_620, %sub3A_654 : vector<128x1200xf32>
    %mul3A_656 = arith.mulf %exp3A_651, %sub3A_655 : vector<128x1200xf32>
    %add3A_657 = arith.addf %add3A_646, %mul3A_656 : vector<128x1200xf32>
    %mul3A_658 = arith.constant -1.000000e+00 : f32
    %mul3A_659 = vector.broadcast %mul3A_658 : f32 to vector<128x1200xf32>
    %mul3A_660 = arith.mulf %mul3A_659, %add3A_622 : vector<128x1200xf32>
    %sub3A_661 = arith.subf %mul3A_660, %mul3A_29 : vector<128x1200xf32>
    %exp3A_662 = math.exp %sub3A_661 : vector<128x1200xf32>
    %add3A_663 = arith.addf %add3A_652, %exp3A_662 : vector<128x1200xf32>
    %sub3A_664 = arith.constant -1.000000e+00 : f32
    %sub3A_665 = vector.broadcast %sub3A_664 : f32 to vector<128x1200xf32>
    %sub3A_666 = arith.subf %sub3A_620, %sub3A_665 : vector<128x1200xf32>
    %mul3A_667 = arith.mulf %exp3A_662, %sub3A_666 : vector<128x1200xf32>
    %add3A_668 = arith.addf %add3A_657, %mul3A_667 : vector<128x1200xf32>
    %mul3A_669 = arith.constant -2.000000e+00 : f32
    %mul3A_670 = vector.broadcast %mul3A_669 : f32 to vector<128x1200xf32>
    %mul3A_671 = arith.mulf %mul3A_670, %add3A_622 : vector<128x1200xf32>
    %sub3A_672 = arith.subf %mul3A_671, %mul3A_32 : vector<128x1200xf32>
    %exp3A_673 = math.exp %sub3A_672 : vector<128x1200xf32>
    %add3A_674 = arith.addf %add3A_663, %exp3A_673 : vector<128x1200xf32>
    %sub3A_675 = arith.constant -2.000000e+00 : f32
    %sub3A_676 = vector.broadcast %sub3A_675 : f32 to vector<128x1200xf32>
    %sub3A_677 = arith.subf %sub3A_620, %sub3A_676 : vector<128x1200xf32>
    %mul3A_678 = arith.mulf %exp3A_673, %sub3A_677 : vector<128x1200xf32>
    %add3A_679 = arith.addf %add3A_668, %mul3A_678 : vector<128x1200xf32>
    %mul3A_680 = arith.constant -3.000000e+00 : f32
    %mul3A_681 = vector.broadcast %mul3A_680 : f32 to vector<128x1200xf32>
    %mul3A_682 = arith.mulf %mul3A_681, %add3A_622 : vector<128x1200xf32>
    %sub3A_683 = arith.subf %mul3A_682, %mul3A_35 : vector<128x1200xf32>
    %exp3A_684 = math.exp %sub3A_683 : vector<128x1200xf32>
    %add3A_685 = arith.addf %add3A_674, %exp3A_684 : vector<128x1200xf32>
    %sub3A_686 = arith.constant -3.000000e+00 : f32
    %sub3A_687 = vector.broadcast %sub3A_686 : f32 to vector<128x1200xf32>
    %sub3A_688 = arith.subf %sub3A_620, %sub3A_687 : vector<128x1200xf32>
    %mul3A_689 = arith.mulf %exp3A_684, %sub3A_688 : vector<128x1200xf32>
    %add3A_690 = arith.addf %add3A_679, %mul3A_689 : vector<128x1200xf32>
    %log3A_691 = math.log %add3A_685 : vector<128x1200xf32>
    %mul3A_692 = arith.mulf %sub3A_620, %mul3A_621 : vector<128x1200xf32>
    %sub3A_693 = arith.subf %log3A_691, %mul3A_692 : vector<128x1200xf32>
    %div3A_694 = arith.divf %add3A_690, %add3A_685 : vector<128x1200xf32>
    %neg3A_695 = arith.constant 0.000000e+00 : f32
    %neg3A_696 = vector.broadcast %neg3A_695 : f32 to vector<128x1200xf32>
    %neg3A_697 = arith.subf %neg3A_696, %div3A_694 : vector<128x1200xf32>
    %mul3A_698 = arith.mulf %neg3A_697, %add3A_36 : vector<128x1200xf32>
    %slice3A_699 = vector.extract_strided_slice %sub3A_693 {offsets = [0, 0], sizes = [128, 300], strides = [1, 1]} : vector<128x1200xf32> to vector<128x300xf32>
    %reduce_sum3A_700 = arith.constant dense<0.000000e+00> : vector<128xf32>
    %reduce_sum3A_701 = vector.multi_reduction <add>, %slice3A_699, %reduce_sum3A_700 [1] : vector<128x300xf32> to vector<128xf32>
    %broadcast_in_dim3A_702 = vector.shape_cast %reduce_sum3A_701 : vector<128xf32> to vector<128x1xf32>
    %slice3A_703 = vector.extract_strided_slice %sub3A_693 {offsets = [0, 300], sizes = [128, 300], strides = [1, 1]} : vector<128x1200xf32> to vector<128x300xf32>
    %reduce_sum3A_704 = arith.constant dense<0.000000e+00> : vector<128xf32>
    %reduce_sum3A_705 = vector.multi_reduction <add>, %slice3A_703, %reduce_sum3A_704 [1] : vector<128x300xf32> to vector<128xf32>
    %broadcast_in_dim3A_706 = vector.shape_cast %reduce_sum3A_705 : vector<128xf32> to vector<128x1xf32>
    %slice3A_707 = vector.extract_strided_slice %sub3A_693 {offsets = [0, 600], sizes = [128, 300], strides = [1, 1]} : vector<128x1200xf32> to vector<128x300xf32>
    %reduce_sum3A_708 = arith.constant dense<0.000000e+00> : vector<128xf32>
    %reduce_sum3A_709 = vector.multi_reduction <add>, %slice3A_707, %reduce_sum3A_708 [1] : vector<128x300xf32> to vector<128xf32>
    %broadcast_in_dim3A_710 = vector.shape_cast %reduce_sum3A_709 : vector<128xf32> to vector<128x1xf32>
    %slice3A_711 = vector.extract_strided_slice %sub3A_693 {offsets = [0, 900], sizes = [128, 300], strides = [1, 1]} : vector<128x1200xf32> to vector<128x300xf32>
    %reduce_sum3A_712 = arith.constant dense<0.000000e+00> : vector<128xf32>
    %reduce_sum3A_713 = vector.multi_reduction <add>, %slice3A_711, %reduce_sum3A_712 [1] : vector<128x300xf32> to vector<128xf32>
    %broadcast_in_dim3A_714 = vector.shape_cast %reduce_sum3A_713 : vector<128xf32> to vector<128x1xf32>
    %get3A_715 = arith.constant 3 : index
    %get3A_716 = arith.constant 0 : index
    %get3A_717 = arith.constant 0 : index
    %get3A_718 = vector.load %arg2[%get3A_715, %get3A_716, %get3A_717] : memref<4x128x12xf32, #tpu.memory_space<vmem>>, vector<1x128x12xf32>
    %get3A_719 = vector.shape_cast %get3A_718 : vector<1x128x12xf32> to vector<128x12xf32>
    %slice3A_720 = vector.extract_strided_slice %get3A_719 {offsets = [0, 0], sizes = [128, 1], strides = [1, 1]} : vector<128x12xf32> to vector<128x1xf32>
    %get3A_721 = arith.constant 3 : index
    %get3A_722 = arith.constant 0 : index
    %get3A_723 = arith.constant 0 : index
    %get3A_724 = vector.load %arg2[%get3A_721, %get3A_722, %get3A_723] : memref<4x128x12xf32, #tpu.memory_space<vmem>>, vector<1x128x12xf32>
    %get3A_725 = vector.shape_cast %get3A_724 : vector<1x128x12xf32> to vector<128x12xf32>
    %slice3A_726 = vector.extract_strided_slice %get3A_725 {offsets = [0, 1], sizes = [128, 1], strides = [1, 1]} : vector<128x12xf32> to vector<128x1xf32>
    %get3A_727 = arith.constant 3 : index
    %get3A_728 = arith.constant 0 : index
    %get3A_729 = arith.constant 0 : index
    %get3A_730 = vector.load %arg2[%get3A_727, %get3A_728, %get3A_729] : memref<4x128x12xf32, #tpu.memory_space<vmem>>, vector<1x128x12xf32>
    %get3A_731 = vector.shape_cast %get3A_730 : vector<1x128x12xf32> to vector<128x12xf32>
    %slice3A_732 = vector.extract_strided_slice %get3A_731 {offsets = [0, 2], sizes = [128, 1], strides = [1, 1]} : vector<128x12xf32> to vector<128x1xf32>
    %broadcast_in_dim3A_733 = vector.shape_cast %slice3A_726 : vector<128x1xf32> to vector<128x1xf32>
    %broadcast_in_dim3A_734 = vector.broadcast %broadcast_in_dim3A_733 : vector<128x1xf32> to vector<128x300xf32>
    %broadcast_in_dim3A_735 = vector.shape_cast %slice3A_732 : vector<128x1xf32> to vector<128x1xf32>
    %broadcast_in_dim3A_736 = vector.broadcast %broadcast_in_dim3A_735 : vector<128x1xf32> to vector<128x300xf32>
    %select_n3A_737 = arith.select %eq3A_26, %broadcast_in_dim3A_734, %broadcast_in_dim3A_736 : vector<128x300xi1>, vector<128x300xf32>
    %broadcast_in_dim3A_738 = vector.shape_cast %slice3A_720 : vector<128x1xf32> to vector<128x1xf32>
    %broadcast_in_dim3A_739 = vector.broadcast %broadcast_in_dim3A_738 : vector<128x1xf32> to vector<128x300xf32>
    %select_n3A_740 = arith.select %eq3A_23, %broadcast_in_dim3A_739, %select_n3A_737 : vector<128x300xi1>, vector<128x300xf32>
    %get3A_741 = arith.constant 0 : index
    %get3A_742 = arith.constant 0 : index
    %get3A_743 = vector.load %arg0[%get3A_741, %get3A_742] : memref<128x1200xf32, #tpu.memory_space<vmem>>, vector<128x300xf32>
    %add3A_744 = arith.addf %get3A_743, %select_n3A_740 : vector<128x300xf32>
    %floor3A_745 = math.floor %add3A_744 : vector<128x300xf32>
    %sub3A_746 = arith.subf %add3A_744, %floor3A_745 : vector<128x300xf32>
    %sub3A_747 = arith.subf %get3A_1, %sub3A_746 : vector<128x300xf32>
    %get3A_748 = arith.constant 3 : index
    %get3A_749 = arith.constant 0 : index
    %get3A_750 = arith.constant 0 : index
    %get3A_751 = vector.load %arg2[%get3A_748, %get3A_749, %get3A_750] : memref<4x128x12xf32, #tpu.memory_space<vmem>>, vector<1x128x12xf32>
    %get3A_752 = vector.shape_cast %get3A_751 : vector<1x128x12xf32> to vector<128x12xf32>
    %slice3A_753 = vector.extract_strided_slice %get3A_752 {offsets = [0, 3], sizes = [128, 1], strides = [1, 1]} : vector<128x12xf32> to vector<128x1xf32>
    %get3A_754 = arith.constant 3 : index
    %get3A_755 = arith.constant 0 : index
    %get3A_756 = arith.constant 0 : index
    %get3A_757 = vector.load %arg2[%get3A_754, %get3A_755, %get3A_756] : memref<4x128x12xf32, #tpu.memory_space<vmem>>, vector<1x128x12xf32>
    %get3A_758 = vector.shape_cast %get3A_757 : vector<1x128x12xf32> to vector<128x12xf32>
    %slice3A_759 = vector.extract_strided_slice %get3A_758 {offsets = [0, 4], sizes = [128, 1], strides = [1, 1]} : vector<128x12xf32> to vector<128x1xf32>
    %get3A_760 = arith.constant 3 : index
    %get3A_761 = arith.constant 0 : index
    %get3A_762 = arith.constant 0 : index
    %get3A_763 = vector.load %arg2[%get3A_760, %get3A_761, %get3A_762] : memref<4x128x12xf32, #tpu.memory_space<vmem>>, vector<1x128x12xf32>
    %get3A_764 = vector.shape_cast %get3A_763 : vector<1x128x12xf32> to vector<128x12xf32>
    %slice3A_765 = vector.extract_strided_slice %get3A_764 {offsets = [0, 5], sizes = [128, 1], strides = [1, 1]} : vector<128x12xf32> to vector<128x1xf32>
    %broadcast_in_dim3A_766 = vector.shape_cast %slice3A_759 : vector<128x1xf32> to vector<128x1xf32>
    %broadcast_in_dim3A_767 = vector.broadcast %broadcast_in_dim3A_766 : vector<128x1xf32> to vector<128x300xf32>
    %broadcast_in_dim3A_768 = vector.shape_cast %slice3A_765 : vector<128x1xf32> to vector<128x1xf32>
    %broadcast_in_dim3A_769 = vector.broadcast %broadcast_in_dim3A_768 : vector<128x1xf32> to vector<128x300xf32>
    %select_n3A_770 = arith.select %eq3A_26, %broadcast_in_dim3A_767, %broadcast_in_dim3A_769 : vector<128x300xi1>, vector<128x300xf32>
    %broadcast_in_dim3A_771 = vector.shape_cast %slice3A_753 : vector<128x1xf32> to vector<128x1xf32>
    %broadcast_in_dim3A_772 = vector.broadcast %broadcast_in_dim3A_771 : vector<128x1xf32> to vector<128x300xf32>
    %select_n3A_773 = arith.select %eq3A_23, %broadcast_in_dim3A_772, %select_n3A_770 : vector<128x300xi1>, vector<128x300xf32>
    %get3A_774 = arith.constant 0 : index
    %get3A_775 = arith.constant 300 : index
    %get3A_776 = vector.load %arg0[%get3A_774, %get3A_775] : memref<128x1200xf32, #tpu.memory_space<vmem>>, vector<128x300xf32>
    %add3A_777 = arith.addf %get3A_776, %select_n3A_773 : vector<128x300xf32>
    %floor3A_778 = math.floor %add3A_777 : vector<128x300xf32>
    %sub3A_779 = arith.subf %add3A_777, %floor3A_778 : vector<128x300xf32>
    %sub3A_780 = arith.subf %get3A_1, %sub3A_779 : vector<128x300xf32>
    %get3A_781 = arith.constant 3 : index
    %get3A_782 = arith.constant 0 : index
    %get3A_783 = arith.constant 0 : index
    %get3A_784 = vector.load %arg2[%get3A_781, %get3A_782, %get3A_783] : memref<4x128x12xf32, #tpu.memory_space<vmem>>, vector<1x128x12xf32>
    %get3A_785 = vector.shape_cast %get3A_784 : vector<1x128x12xf32> to vector<128x12xf32>
    %slice3A_786 = vector.extract_strided_slice %get3A_785 {offsets = [0, 6], sizes = [128, 1], strides = [1, 1]} : vector<128x12xf32> to vector<128x1xf32>
    %get3A_787 = arith.constant 3 : index
    %get3A_788 = arith.constant 0 : index
    %get3A_789 = arith.constant 0 : index
    %get3A_790 = vector.load %arg2[%get3A_787, %get3A_788, %get3A_789] : memref<4x128x12xf32, #tpu.memory_space<vmem>>, vector<1x128x12xf32>
    %get3A_791 = vector.shape_cast %get3A_790 : vector<1x128x12xf32> to vector<128x12xf32>
    %slice3A_792 = vector.extract_strided_slice %get3A_791 {offsets = [0, 7], sizes = [128, 1], strides = [1, 1]} : vector<128x12xf32> to vector<128x1xf32>
    %get3A_793 = arith.constant 3 : index
    %get3A_794 = arith.constant 0 : index
    %get3A_795 = arith.constant 0 : index
    %get3A_796 = vector.load %arg2[%get3A_793, %get3A_794, %get3A_795] : memref<4x128x12xf32, #tpu.memory_space<vmem>>, vector<1x128x12xf32>
    %get3A_797 = vector.shape_cast %get3A_796 : vector<1x128x12xf32> to vector<128x12xf32>
    %slice3A_798 = vector.extract_strided_slice %get3A_797 {offsets = [0, 8], sizes = [128, 1], strides = [1, 1]} : vector<128x12xf32> to vector<128x1xf32>
    %broadcast_in_dim3A_799 = vector.shape_cast %slice3A_792 : vector<128x1xf32> to vector<128x1xf32>
    %broadcast_in_dim3A_800 = vector.broadcast %broadcast_in_dim3A_799 : vector<128x1xf32> to vector<128x300xf32>
    %broadcast_in_dim3A_801 = vector.shape_cast %slice3A_798 : vector<128x1xf32> to vector<128x1xf32>
    %broadcast_in_dim3A_802 = vector.broadcast %broadcast_in_dim3A_801 : vector<128x1xf32> to vector<128x300xf32>
    %select_n3A_803 = arith.select %eq3A_26, %broadcast_in_dim3A_800, %broadcast_in_dim3A_802 : vector<128x300xi1>, vector<128x300xf32>
    %broadcast_in_dim3A_804 = vector.shape_cast %slice3A_786 : vector<128x1xf32> to vector<128x1xf32>
    %broadcast_in_dim3A_805 = vector.broadcast %broadcast_in_dim3A_804 : vector<128x1xf32> to vector<128x300xf32>
    %select_n3A_806 = arith.select %eq3A_23, %broadcast_in_dim3A_805, %select_n3A_803 : vector<128x300xi1>, vector<128x300xf32>
    %get3A_807 = arith.constant 0 : index
    %get3A_808 = arith.constant 600 : index
    %get3A_809 = vector.load %arg0[%get3A_807, %get3A_808] : memref<128x1200xf32, #tpu.memory_space<vmem>>, vector<128x300xf32>
    %add3A_810 = arith.addf %get3A_809, %select_n3A_806 : vector<128x300xf32>
    %floor3A_811 = math.floor %add3A_810 : vector<128x300xf32>
    %sub3A_812 = arith.subf %add3A_810, %floor3A_811 : vector<128x300xf32>
    %sub3A_813 = arith.subf %get3A_1, %sub3A_812 : vector<128x300xf32>
    %get3A_814 = arith.constant 3 : index
    %get3A_815 = arith.constant 0 : index
    %get3A_816 = arith.constant 0 : index
    %get3A_817 = vector.load %arg2[%get3A_814, %get3A_815, %get3A_816] : memref<4x128x12xf32, #tpu.memory_space<vmem>>, vector<1x128x12xf32>
    %get3A_818 = vector.shape_cast %get3A_817 : vector<1x128x12xf32> to vector<128x12xf32>
    %slice3A_819 = vector.extract_strided_slice %get3A_818 {offsets = [0, 9], sizes = [128, 1], strides = [1, 1]} : vector<128x12xf32> to vector<128x1xf32>
    %get3A_820 = arith.constant 3 : index
    %get3A_821 = arith.constant 0 : index
    %get3A_822 = arith.constant 0 : index
    %get3A_823 = vector.load %arg2[%get3A_820, %get3A_821, %get3A_822] : memref<4x128x12xf32, #tpu.memory_space<vmem>>, vector<1x128x12xf32>
    %get3A_824 = vector.shape_cast %get3A_823 : vector<1x128x12xf32> to vector<128x12xf32>
    %slice3A_825 = vector.extract_strided_slice %get3A_824 {offsets = [0, 10], sizes = [128, 1], strides = [1, 1]} : vector<128x12xf32> to vector<128x1xf32>
    %get3A_826 = arith.constant 3 : index
    %get3A_827 = arith.constant 0 : index
    %get3A_828 = arith.constant 0 : index
    %get3A_829 = vector.load %arg2[%get3A_826, %get3A_827, %get3A_828] : memref<4x128x12xf32, #tpu.memory_space<vmem>>, vector<1x128x12xf32>
    %get3A_830 = vector.shape_cast %get3A_829 : vector<1x128x12xf32> to vector<128x12xf32>
    %slice3A_831 = vector.extract_strided_slice %get3A_830 {offsets = [0, 11], sizes = [128, 1], strides = [1, 1]} : vector<128x12xf32> to vector<128x1xf32>
    %broadcast_in_dim3A_832 = vector.shape_cast %slice3A_825 : vector<128x1xf32> to vector<128x1xf32>
    %broadcast_in_dim3A_833 = vector.broadcast %broadcast_in_dim3A_832 : vector<128x1xf32> to vector<128x300xf32>
    %broadcast_in_dim3A_834 = vector.shape_cast %slice3A_831 : vector<128x1xf32> to vector<128x1xf32>
    %broadcast_in_dim3A_835 = vector.broadcast %broadcast_in_dim3A_834 : vector<128x1xf32> to vector<128x300xf32>
    %select_n3A_836 = arith.select %eq3A_26, %broadcast_in_dim3A_833, %broadcast_in_dim3A_835 : vector<128x300xi1>, vector<128x300xf32>
    %broadcast_in_dim3A_837 = vector.shape_cast %slice3A_819 : vector<128x1xf32> to vector<128x1xf32>
    %broadcast_in_dim3A_838 = vector.broadcast %broadcast_in_dim3A_837 : vector<128x1xf32> to vector<128x300xf32>
    %select_n3A_839 = arith.select %eq3A_23, %broadcast_in_dim3A_838, %select_n3A_836 : vector<128x300xi1>, vector<128x300xf32>
    %get3A_840 = arith.constant 0 : index
    %get3A_841 = arith.constant 900 : index
    %get3A_842 = vector.load %arg0[%get3A_840, %get3A_841] : memref<128x1200xf32, #tpu.memory_space<vmem>>, vector<128x300xf32>
    %add3A_843 = arith.addf %get3A_842, %select_n3A_839 : vector<128x300xf32>
    %floor3A_844 = math.floor %add3A_843 : vector<128x300xf32>
    %sub3A_845 = arith.subf %add3A_843, %floor3A_844 : vector<128x300xf32>
    %sub3A_846 = arith.subf %get3A_1, %sub3A_845 : vector<128x300xf32>
    %concatenate3A_847 = tpu.concatenate %sub3A_747, %sub3A_780, %sub3A_813, %sub3A_846 in 1 : vector<128x300xf32>, vector<128x300xf32>, vector<128x300xf32>, vector<128x300xf32> -> vector<128x1200xf32>
    %round3A_848 = math.roundeven %concatenate3A_847 : vector<128x1200xf32>
    %sub3A_849 = arith.subf %concatenate3A_847, %round3A_848 : vector<128x1200xf32>
    %mul3A_850 = arith.mulf %sub3A_849, %mul3A_29 : vector<128x1200xf32>
    %add3A_851 = arith.addf %mul3A_850, %mul3A_850 : vector<128x1200xf32>
    %broadcast_in_dim3A_852 = arith.constant 1.000000e+00 : f32
    %broadcast_in_dim3A_853 = vector.broadcast %broadcast_in_dim3A_852 : f32 to vector<128x1200xf32>
    %mul3A_854 = arith.constant 1.000000e+00 : f32
    %mul3A_855 = vector.broadcast %mul3A_854 : f32 to vector<128x1200xf32>
    %mul3A_856 = arith.mulf %mul3A_855, %add3A_851 : vector<128x1200xf32>
    %sub3A_857 = arith.subf %mul3A_856, %mul3A_29 : vector<128x1200xf32>
    %exp3A_858 = math.exp %sub3A_857 : vector<128x1200xf32>
    %add3A_859 = arith.addf %broadcast_in_dim3A_853, %exp3A_858 : vector<128x1200xf32>
    %sub3A_860 = arith.constant 1.000000e+00 : f32
    %sub3A_861 = vector.broadcast %sub3A_860 : f32 to vector<128x1200xf32>
    %sub3A_862 = arith.subf %sub3A_849, %sub3A_861 : vector<128x1200xf32>
    %mul3A_863 = arith.mulf %exp3A_858, %sub3A_862 : vector<128x1200xf32>
    %add3A_864 = arith.addf %sub3A_849, %mul3A_863 : vector<128x1200xf32>
    %mul3A_865 = arith.constant 2.000000e+00 : f32
    %mul3A_866 = vector.broadcast %mul3A_865 : f32 to vector<128x1200xf32>
    %mul3A_867 = arith.mulf %mul3A_866, %add3A_851 : vector<128x1200xf32>
    %sub3A_868 = arith.subf %mul3A_867, %mul3A_32 : vector<128x1200xf32>
    %exp3A_869 = math.exp %sub3A_868 : vector<128x1200xf32>
    %add3A_870 = arith.addf %add3A_859, %exp3A_869 : vector<128x1200xf32>
    %sub3A_871 = arith.constant 2.000000e+00 : f32
    %sub3A_872 = vector.broadcast %sub3A_871 : f32 to vector<128x1200xf32>
    %sub3A_873 = arith.subf %sub3A_849, %sub3A_872 : vector<128x1200xf32>
    %mul3A_874 = arith.mulf %exp3A_869, %sub3A_873 : vector<128x1200xf32>
    %add3A_875 = arith.addf %add3A_864, %mul3A_874 : vector<128x1200xf32>
    %mul3A_876 = arith.constant 3.000000e+00 : f32
    %mul3A_877 = vector.broadcast %mul3A_876 : f32 to vector<128x1200xf32>
    %mul3A_878 = arith.mulf %mul3A_877, %add3A_851 : vector<128x1200xf32>
    %sub3A_879 = arith.subf %mul3A_878, %mul3A_35 : vector<128x1200xf32>
    %exp3A_880 = math.exp %sub3A_879 : vector<128x1200xf32>
    %add3A_881 = arith.addf %add3A_870, %exp3A_880 : vector<128x1200xf32>
    %sub3A_882 = arith.constant 3.000000e+00 : f32
    %sub3A_883 = vector.broadcast %sub3A_882 : f32 to vector<128x1200xf32>
    %sub3A_884 = arith.subf %sub3A_849, %sub3A_883 : vector<128x1200xf32>
    %mul3A_885 = arith.mulf %exp3A_880, %sub3A_884 : vector<128x1200xf32>
    %add3A_886 = arith.addf %add3A_875, %mul3A_885 : vector<128x1200xf32>
    %mul3A_887 = arith.constant -1.000000e+00 : f32
    %mul3A_888 = vector.broadcast %mul3A_887 : f32 to vector<128x1200xf32>
    %mul3A_889 = arith.mulf %mul3A_888, %add3A_851 : vector<128x1200xf32>
    %sub3A_890 = arith.subf %mul3A_889, %mul3A_29 : vector<128x1200xf32>
    %exp3A_891 = math.exp %sub3A_890 : vector<128x1200xf32>
    %add3A_892 = arith.addf %add3A_881, %exp3A_891 : vector<128x1200xf32>
    %sub3A_893 = arith.constant -1.000000e+00 : f32
    %sub3A_894 = vector.broadcast %sub3A_893 : f32 to vector<128x1200xf32>
    %sub3A_895 = arith.subf %sub3A_849, %sub3A_894 : vector<128x1200xf32>
    %mul3A_896 = arith.mulf %exp3A_891, %sub3A_895 : vector<128x1200xf32>
    %add3A_897 = arith.addf %add3A_886, %mul3A_896 : vector<128x1200xf32>
    %mul3A_898 = arith.constant -2.000000e+00 : f32
    %mul3A_899 = vector.broadcast %mul3A_898 : f32 to vector<128x1200xf32>
    %mul3A_900 = arith.mulf %mul3A_899, %add3A_851 : vector<128x1200xf32>
    %sub3A_901 = arith.subf %mul3A_900, %mul3A_32 : vector<128x1200xf32>
    %exp3A_902 = math.exp %sub3A_901 : vector<128x1200xf32>
    %add3A_903 = arith.addf %add3A_892, %exp3A_902 : vector<128x1200xf32>
    %sub3A_904 = arith.constant -2.000000e+00 : f32
    %sub3A_905 = vector.broadcast %sub3A_904 : f32 to vector<128x1200xf32>
    %sub3A_906 = arith.subf %sub3A_849, %sub3A_905 : vector<128x1200xf32>
    %mul3A_907 = arith.mulf %exp3A_902, %sub3A_906 : vector<128x1200xf32>
    %add3A_908 = arith.addf %add3A_897, %mul3A_907 : vector<128x1200xf32>
    %mul3A_909 = arith.constant -3.000000e+00 : f32
    %mul3A_910 = vector.broadcast %mul3A_909 : f32 to vector<128x1200xf32>
    %mul3A_911 = arith.mulf %mul3A_910, %add3A_851 : vector<128x1200xf32>
    %sub3A_912 = arith.subf %mul3A_911, %mul3A_35 : vector<128x1200xf32>
    %exp3A_913 = math.exp %sub3A_912 : vector<128x1200xf32>
    %add3A_914 = arith.addf %add3A_903, %exp3A_913 : vector<128x1200xf32>
    %sub3A_915 = arith.constant -3.000000e+00 : f32
    %sub3A_916 = vector.broadcast %sub3A_915 : f32 to vector<128x1200xf32>
    %sub3A_917 = arith.subf %sub3A_849, %sub3A_916 : vector<128x1200xf32>
    %mul3A_918 = arith.mulf %exp3A_913, %sub3A_917 : vector<128x1200xf32>
    %add3A_919 = arith.addf %add3A_908, %mul3A_918 : vector<128x1200xf32>
    %log3A_920 = math.log %add3A_914 : vector<128x1200xf32>
    %mul3A_921 = arith.mulf %sub3A_849, %mul3A_850 : vector<128x1200xf32>
    %sub3A_922 = arith.subf %log3A_920, %mul3A_921 : vector<128x1200xf32>
    %div3A_923 = arith.divf %add3A_919, %add3A_914 : vector<128x1200xf32>
    %neg3A_924 = arith.constant 0.000000e+00 : f32
    %neg3A_925 = vector.broadcast %neg3A_924 : f32 to vector<128x1200xf32>
    %neg3A_926 = arith.subf %neg3A_925, %div3A_923 : vector<128x1200xf32>
    %mul3A_927 = arith.mulf %neg3A_926, %add3A_36 : vector<128x1200xf32>
    %slice3A_928 = vector.extract_strided_slice %sub3A_922 {offsets = [0, 0], sizes = [128, 300], strides = [1, 1]} : vector<128x1200xf32> to vector<128x300xf32>
    %reduce_sum3A_929 = arith.constant dense<0.000000e+00> : vector<128xf32>
    %reduce_sum3A_930 = vector.multi_reduction <add>, %slice3A_928, %reduce_sum3A_929 [1] : vector<128x300xf32> to vector<128xf32>
    %broadcast_in_dim3A_931 = vector.shape_cast %reduce_sum3A_930 : vector<128xf32> to vector<128x1xf32>
    %slice3A_932 = vector.extract_strided_slice %sub3A_922 {offsets = [0, 300], sizes = [128, 300], strides = [1, 1]} : vector<128x1200xf32> to vector<128x300xf32>
    %reduce_sum3A_933 = arith.constant dense<0.000000e+00> : vector<128xf32>
    %reduce_sum3A_934 = vector.multi_reduction <add>, %slice3A_932, %reduce_sum3A_933 [1] : vector<128x300xf32> to vector<128xf32>
    %broadcast_in_dim3A_935 = vector.shape_cast %reduce_sum3A_934 : vector<128xf32> to vector<128x1xf32>
    %slice3A_936 = vector.extract_strided_slice %sub3A_922 {offsets = [0, 600], sizes = [128, 300], strides = [1, 1]} : vector<128x1200xf32> to vector<128x300xf32>
    %reduce_sum3A_937 = arith.constant dense<0.000000e+00> : vector<128xf32>
    %reduce_sum3A_938 = vector.multi_reduction <add>, %slice3A_936, %reduce_sum3A_937 [1] : vector<128x300xf32> to vector<128xf32>
    %broadcast_in_dim3A_939 = vector.shape_cast %reduce_sum3A_938 : vector<128xf32> to vector<128x1xf32>
    %slice3A_940 = vector.extract_strided_slice %sub3A_922 {offsets = [0, 900], sizes = [128, 300], strides = [1, 1]} : vector<128x1200xf32> to vector<128x300xf32>
    %reduce_sum3A_941 = arith.constant dense<0.000000e+00> : vector<128xf32>
    %reduce_sum3A_942 = vector.multi_reduction <add>, %slice3A_940, %reduce_sum3A_941 [1] : vector<128x300xf32> to vector<128xf32>
    %broadcast_in_dim3A_943 = vector.shape_cast %reduce_sum3A_942 : vector<128xf32> to vector<128x1xf32>
    %concatenate3A_944 = tpu.concatenate %broadcast_in_dim3A_244, %broadcast_in_dim3A_248, %broadcast_in_dim3A_252, %broadcast_in_dim3A_256, %broadcast_in_dim3A_473, %broadcast_in_dim3A_477, %broadcast_in_dim3A_481, %broadcast_in_dim3A_485, %broadcast_in_dim3A_702, %broadcast_in_dim3A_706, %broadcast_in_dim3A_710, %broadcast_in_dim3A_714, %broadcast_in_dim3A_931, %broadcast_in_dim3A_935, %broadcast_in_dim3A_939, %broadcast_in_dim3A_943 in 1 : vector<128x1xf32>, vector<128x1xf32>, vector<128x1xf32>, vector<128x1xf32>, vector<128x1xf32>, vector<128x1xf32>, vector<128x1xf32>, vector<128x1xf32>, vector<128x1xf32>, vector<128x1xf32>, vector<128x1xf32>, vector<128x1xf32>, vector<128x1xf32>, vector<128x1xf32>, vector<128x1xf32>, vector<128x1xf32> -> vector<128x16xf32>
    %reduce_max3A = arith.constant dense<0xFF800000> : vector<128xf32>
    %reduce_max3A_945 = vector.multi_reduction <maximumf>, %concatenate3A_944, %reduce_max3A [1] : vector<128x16xf32> to vector<128xf32>
    %broadcast_in_dim3A_946 = vector.shape_cast %reduce_max3A_945 : vector<128xf32> to vector<128x1xf32>
    %sub3A_947 = vector.broadcast %broadcast_in_dim3A_946 : vector<128x1xf32> to vector<128x16xf32>
    %sub3A_948 = arith.subf %concatenate3A_944, %sub3A_947 : vector<128x16xf32>
    %exp3A_949 = math.exp %sub3A_948 : vector<128x16xf32>
    %reduce_sum3A_950 = arith.constant dense<0.000000e+00> : vector<128xf32>
    %reduce_sum3A_951 = vector.multi_reduction <add>, %exp3A_949, %reduce_sum3A_950 [1] : vector<128x16xf32> to vector<128xf32>
    %broadcast_in_dim3A_952 = vector.shape_cast %reduce_sum3A_951 : vector<128xf32> to vector<128x1xf32>
    %div3A_953 = vector.broadcast %broadcast_in_dim3A_952 : vector<128x1xf32> to vector<128x16xf32>
    %div3A_954 = arith.divf %exp3A_949, %div3A_953 : vector<128x16xf32>
    %slice3A_955 = vector.extract_strided_slice %div3A_954 {offsets = [0, 0], sizes = [128, 1], strides = [1, 1]} : vector<128x16xf32> to vector<128x1xf32>
    %slice3A_956 = vector.extract_strided_slice %mul3A_241 {offsets = [0, 0], sizes = [128, 300], strides = [1, 1]} : vector<128x1200xf32> to vector<128x300xf32>
    %mul3A_957 = vector.broadcast %slice3A_955 : vector<128x1xf32> to vector<128x300xf32>
    %mul3A_958 = arith.mulf %mul3A_957, %slice3A_956 : vector<128x300xf32>
    %slice3A_959 = vector.extract_strided_slice %div3A_954 {offsets = [0, 4], sizes = [128, 1], strides = [1, 1]} : vector<128x16xf32> to vector<128x1xf32>
    %slice3A_960 = vector.extract_strided_slice %mul3A_469 {offsets = [0, 0], sizes = [128, 300], strides = [1, 1]} : vector<128x1200xf32> to vector<128x300xf32>
    %mul3A_961 = vector.broadcast %slice3A_959 : vector<128x1xf32> to vector<128x300xf32>
    %mul3A_962 = arith.mulf %mul3A_961, %slice3A_960 : vector<128x300xf32>
    %add3A_963 = arith.addf %mul3A_958, %mul3A_962 : vector<128x300xf32>
    %slice3A_964 = vector.extract_strided_slice %div3A_954 {offsets = [0, 8], sizes = [128, 1], strides = [1, 1]} : vector<128x16xf32> to vector<128x1xf32>
    %slice3A_965 = vector.extract_strided_slice %mul3A_698 {offsets = [0, 0], sizes = [128, 300], strides = [1, 1]} : vector<128x1200xf32> to vector<128x300xf32>
    %mul3A_966 = vector.broadcast %slice3A_964 : vector<128x1xf32> to vector<128x300xf32>
    %mul3A_967 = arith.mulf %mul3A_966, %slice3A_965 : vector<128x300xf32>
    %add3A_968 = arith.addf %add3A_963, %mul3A_967 : vector<128x300xf32>
    %slice3A_969 = vector.extract_strided_slice %div3A_954 {offsets = [0, 12], sizes = [128, 1], strides = [1, 1]} : vector<128x16xf32> to vector<128x1xf32>
    %slice3A_970 = vector.extract_strided_slice %mul3A_927 {offsets = [0, 0], sizes = [128, 300], strides = [1, 1]} : vector<128x1200xf32> to vector<128x300xf32>
    %mul3A_971 = vector.broadcast %slice3A_969 : vector<128x1xf32> to vector<128x300xf32>
    %mul3A_972 = arith.mulf %mul3A_971, %slice3A_970 : vector<128x300xf32>
    %add3A_973 = arith.addf %add3A_968, %mul3A_972 : vector<128x300xf32>
    %swap3A = arith.constant 0 : index
    %swap3A_974 = arith.constant 0 : index
    %swap3A_975 = vector.load %arg4[%swap3A, %swap3A_974] : memref<128x1200xf32, #tpu.memory_space<vmem>>, vector<128x300xf32>
    tpu.vector_store %arg4[%swap3A, %swap3A_974], %add3A_973 {strides = array<i32>} : memref<128x1200xf32, #tpu.memory_space<vmem>>, vector<128x300xf32>,
    %slice3A_976 = vector.extract_strided_slice %div3A_954 {offsets = [0, 1], sizes = [128, 1], strides = [1, 1]} : vector<128x16xf32> to vector<128x1xf32>
    %slice3A_977 = vector.extract_strided_slice %mul3A_241 {offsets = [0, 300], sizes = [128, 300], strides = [1, 1]} : vector<128x1200xf32> to vector<128x300xf32>
    %mul3A_978 = vector.broadcast %slice3A_976 : vector<128x1xf32> to vector<128x300xf32>
    %mul3A_979 = arith.mulf %mul3A_978, %slice3A_977 : vector<128x300xf32>
    %slice3A_980 = vector.extract_strided_slice %div3A_954 {offsets = [0, 5], sizes = [128, 1], strides = [1, 1]} : vector<128x16xf32> to vector<128x1xf32>
    %slice3A_981 = vector.extract_strided_slice %mul3A_469 {offsets = [0, 300], sizes = [128, 300], strides = [1, 1]} : vector<128x1200xf32> to vector<128x300xf32>
    %mul3A_982 = vector.broadcast %slice3A_980 : vector<128x1xf32> to vector<128x300xf32>
    %mul3A_983 = arith.mulf %mul3A_982, %slice3A_981 : vector<128x300xf32>
    %add3A_984 = arith.addf %mul3A_979, %mul3A_983 : vector<128x300xf32>
    %slice3A_985 = vector.extract_strided_slice %div3A_954 {offsets = [0, 9], sizes = [128, 1], strides = [1, 1]} : vector<128x16xf32> to vector<128x1xf32>
    %slice3A_986 = vector.extract_strided_slice %mul3A_698 {offsets = [0, 300], sizes = [128, 300], strides = [1, 1]} : vector<128x1200xf32> to vector<128x300xf32>
    %mul3A_987 = vector.broadcast %slice3A_985 : vector<128x1xf32> to vector<128x300xf32>
    %mul3A_988 = arith.mulf %mul3A_987, %slice3A_986 : vector<128x300xf32>
    %add3A_989 = arith.addf %add3A_984, %mul3A_988 : vector<128x300xf32>
    %slice3A_990 = vector.extract_strided_slice %div3A_954 {offsets = [0, 13], sizes = [128, 1], strides = [1, 1]} : vector<128x16xf32> to vector<128x1xf32>
    %slice3A_991 = vector.extract_strided_slice %mul3A_927 {offsets = [0, 300], sizes = [128, 300], strides = [1, 1]} : vector<128x1200xf32> to vector<128x300xf32>
    %mul3A_992 = vector.broadcast %slice3A_990 : vector<128x1xf32> to vector<128x300xf32>
    %mul3A_993 = arith.mulf %mul3A_992, %slice3A_991 : vector<128x300xf32>
    %add3A_994 = arith.addf %add3A_989, %mul3A_993 : vector<128x300xf32>
    %swap3A_995 = arith.constant 0 : index
    %swap3A_996 = arith.constant 300 : index
    %swap3A_997 = vector.load %arg4[%swap3A_995, %swap3A_996] : memref<128x1200xf32, #tpu.memory_space<vmem>>, vector<128x300xf32>
    tpu.vector_store %arg4[%swap3A_995, %swap3A_996], %add3A_994 {strides = array<i32>} : memref<128x1200xf32, #tpu.memory_space<vmem>>, vector<128x300xf32>,
    %slice3A_998 = vector.extract_strided_slice %div3A_954 {offsets = [0, 2], sizes = [128, 1], strides = [1, 1]} : vector<128x16xf32> to vector<128x1xf32>
    %slice3A_999 = vector.extract_strided_slice %mul3A_241 {offsets = [0, 600], sizes = [128, 300], strides = [1, 1]} : vector<128x1200xf32> to vector<128x300xf32>
    %mul3A_1000 = vector.broadcast %slice3A_998 : vector<128x1xf32> to vector<128x300xf32>
    %mul3A_1001 = arith.mulf %mul3A_1000, %slice3A_999 : vector<128x300xf32>
    %slice3A_1002 = vector.extract_strided_slice %div3A_954 {offsets = [0, 6], sizes = [128, 1], strides = [1, 1]} : vector<128x16xf32> to vector<128x1xf32>
    %slice3A_1003 = vector.extract_strided_slice %mul3A_469 {offsets = [0, 600], sizes = [128, 300], strides = [1, 1]} : vector<128x1200xf32> to vector<128x300xf32>
    %mul3A_1004 = vector.broadcast %slice3A_1002 : vector<128x1xf32> to vector<128x300xf32>
    %mul3A_1005 = arith.mulf %mul3A_1004, %slice3A_1003 : vector<128x300xf32>
    %add3A_1006 = arith.addf %mul3A_1001, %mul3A_1005 : vector<128x300xf32>
    %slice3A_1007 = vector.extract_strided_slice %div3A_954 {offsets = [0, 10], sizes = [128, 1], strides = [1, 1]} : vector<128x16xf32> to vector<128x1xf32>
    %slice3A_1008 = vector.extract_strided_slice %mul3A_698 {offsets = [0, 600], sizes = [128, 300], strides = [1, 1]} : vector<128x1200xf32> to vector<128x300xf32>
    %mul3A_1009 = vector.broadcast %slice3A_1007 : vector<128x1xf32> to vector<128x300xf32>
    %mul3A_1010 = arith.mulf %mul3A_1009, %slice3A_1008 : vector<128x300xf32>
    %add3A_1011 = arith.addf %add3A_1006, %mul3A_1010 : vector<128x300xf32>
    %slice3A_1012 = vector.extract_strided_slice %div3A_954 {offsets = [0, 14], sizes = [128, 1], strides = [1, 1]} : vector<128x16xf32> to vector<128x1xf32>
    %slice3A_1013 = vector.extract_strided_slice %mul3A_927 {offsets = [0, 600], sizes = [128, 300], strides = [1, 1]} : vector<128x1200xf32> to vector<128x300xf32>
    %mul3A_1014 = vector.broadcast %slice3A_1012 : vector<128x1xf32> to vector<128x300xf32>
    %mul3A_1015 = arith.mulf %mul3A_1014, %slice3A_1013 : vector<128x300xf32>
    %add3A_1016 = arith.addf %add3A_1011, %mul3A_1015 : vector<128x300xf32>
    %swap3A_1017 = arith.constant 0 : index
    %swap3A_1018 = arith.constant 600 : index
    %swap3A_1019 = vector.load %arg4[%swap3A_1017, %swap3A_1018] : memref<128x1200xf32, #tpu.memory_space<vmem>>, vector<128x300xf32>
    tpu.vector_store %arg4[%swap3A_1017, %swap3A_1018], %add3A_1016 {strides = array<i32>} : memref<128x1200xf32, #tpu.memory_space<vmem>>, vector<128x300xf32>,
    %slice3A_1020 = vector.extract_strided_slice %div3A_954 {offsets = [0, 3], sizes = [128, 1], strides = [1, 1]} : vector<128x16xf32> to vector<128x1xf32>
    %slice3A_1021 = vector.extract_strided_slice %mul3A_241 {offsets = [0, 900], sizes = [128, 300], strides = [1, 1]} : vector<128x1200xf32> to vector<128x300xf32>
    %mul3A_1022 = vector.broadcast %slice3A_1020 : vector<128x1xf32> to vector<128x300xf32>
    %mul3A_1023 = arith.mulf %mul3A_1022, %slice3A_1021 : vector<128x300xf32>
    %slice3A_1024 = vector.extract_strided_slice %div3A_954 {offsets = [0, 7], sizes = [128, 1], strides = [1, 1]} : vector<128x16xf32> to vector<128x1xf32>
    %slice3A_1025 = vector.extract_strided_slice %mul3A_469 {offsets = [0, 900], sizes = [128, 300], strides = [1, 1]} : vector<128x1200xf32> to vector<128x300xf32>
    %mul3A_1026 = vector.broadcast %slice3A_1024 : vector<128x1xf32> to vector<128x300xf32>
    %mul3A_1027 = arith.mulf %mul3A_1026, %slice3A_1025 : vector<128x300xf32>
    %add3A_1028 = arith.addf %mul3A_1023, %mul3A_1027 : vector<128x300xf32>
    %slice3A_1029 = vector.extract_strided_slice %div3A_954 {offsets = [0, 11], sizes = [128, 1], strides = [1, 1]} : vector<128x16xf32> to vector<128x1xf32>
    %slice3A_1030 = vector.extract_strided_slice %mul3A_698 {offsets = [0, 900], sizes = [128, 300], strides = [1, 1]} : vector<128x1200xf32> to vector<128x300xf32>
    %mul3A_1031 = vector.broadcast %slice3A_1029 : vector<128x1xf32> to vector<128x300xf32>
    %mul3A_1032 = arith.mulf %mul3A_1031, %slice3A_1030 : vector<128x300xf32>
    %add3A_1033 = arith.addf %add3A_1028, %mul3A_1032 : vector<128x300xf32>
    %slice3A_1034 = vector.extract_strided_slice %div3A_954 {offsets = [0, 15], sizes = [128, 1], strides = [1, 1]} : vector<128x16xf32> to vector<128x1xf32>
    %slice3A_1035 = vector.extract_strided_slice %mul3A_927 {offsets = [0, 900], sizes = [128, 300], strides = [1, 1]} : vector<128x1200xf32> to vector<128x300xf32>
    %mul3A_1036 = vector.broadcast %slice3A_1034 : vector<128x1xf32> to vector<128x300xf32>
    %mul3A_1037 = arith.mulf %mul3A_1036, %slice3A_1035 : vector<128x300xf32>
    %add3A_1038 = arith.addf %add3A_1033, %mul3A_1037 : vector<128x300xf32>
    %swap3A_1039 = arith.constant 0 : index
    %swap3A_1040 = arith.constant 900 : index
    %swap3A_1041 = vector.load %arg4[%swap3A_1039, %swap3A_1040] : memref<128x1200xf32, #tpu.memory_space<vmem>>, vector<128x300xf32>
    tpu.vector_store %arg4[%swap3A_1039, %swap3A_1040], %add3A_1038 {strides = array<i32>} : memref<128x1200xf32, #tpu.memory_space<vmem>>, vector<128x300xf32>,
    return
  }
}

</mosaic_0001>

<sc_bundles>
// kernel: kernel.4.cloned.1.call-start
scs
__scs_entry_jumppad:
0x0: {  	(pc) =	sbr.rel $0x88, $3  }
0x1: {  	(tag) =	ssettag $0x0;
	lr =	simm.s32 $0x1  }
0x2: {  	[smem:$0x3F9C] =	sst lr;
	_ =	strace $0xD0000000  }
0x3: {  	_ = 	snop  }
0x4: {  	_ = 	snop  }
0x5: {  	_ = 	snop  }
0x6: {  	_ = 	snop  }
0x7: {  	_ = 	snop  }
__scs_overlays_trampoline_lowered:
0x8: {  	[smem:$0x3FAB] =	sst s0  }
0x9: {  	[smem:$0x3FAC] =	sst s1  }
0xa: {  	[smem:$0x3FAD] =	sst s2  }
0xb: {  	[smem:$0x3FAE] =	sst s3  }
0xc: {  	[smem:$0x3FAF] =	sst s4  }
0xd: {  	[smem:$0x3FB0] =	sst s5  }
0xe: {  	[smem:$0x3FB1] =	sst s6  }
0xf: {  	[smem:$0x3FB2] =	sst s7  }
0x10: {  	[smem:$0x3FB3] =	sst s8  }
0x11: {  	[smem:$0x3FB4] =	sst s9;
	s0 =	simm.s32 @!p0 $0x0  }
0x12: {  	s1 =	sld [smem:$0x3F9A];
	s0 =	simm.s32 @p0 $0x1  }
0x13: {  	[smem:$0x3FB5] =	sst s0;
	s0 =	simm.s32 @!p1 $0x0  }
0x14: {  	s2 =	sld [smem:$0x3F99];
	s0 =	simm.s32 @p1 $0x1  }
0x15: {  	[smem:$0x3FB6] =	sst s0;
	s0 =	simm.s32 @!p2 $0x0  }
0x16: {  	s3 =	sld [smem:$0x3FDB];
	s0 =	simm.s32 @p2 $0x1  }
0x17: {  	s4 =	simm.s32 $0x1BF5;
	[smem:$0x3FB8] =	sst s0  }
0x18: {  	s0 =	sld [smem:$0x3F9B];
	_ =	swait.ge [sflag:s4], $0x0  }
0x19: {  	s7 =	sld [smem:$0x3F9C]  }
0x1a: {  	s8 =	sadd.s32 $0xFFFFE003, lr  }
0x1b: {  	s9 =	sadd.s32 $0xFFFFFEF7, lr;
	s5 =	simm.s32 $0xFFFFFFFF;
	p2 =	slt.u32 s8, $0xFFFFF086  }
0x1c: {  	p1 =	slt.u32 s9, $0xF7A;
	s5 =	simm.s32 @!p2 $0x0  }
0x1d: {  	s5 =	simm.s32 @p1 $0x1;
	p0 =	seq.s32 s7, s2  }
0x1e: {  	s7 =	smul.u32 @!p0 $0xF7A, s2;
	p2 =	seq.s32 @!p0 s5, $0x0  }
0x1f: {  	s9 =	smul.u32 $0xF7A, s1;
	s8 =	simm.s32 @!p0 $0x1BF5;
	p2 =	por !p2, p0  }
0x20: {  	[sflag:s8] =	ssyncset.s32 @!p0 $0xFFFFF086;
	s6 =	sadd.s32 @!p0 s3, s7;
	s7 =	simm.s32 @!p0 $0x108  }
0x21: {  	s3 =	sadd.s32 s3, s9;
	s6 =	sadd.s32 @!p0 $0x88, s6;
	s7 =	simm.s32 @p2 $0x1082  }
0x22: {  	[simem:s7], [sflag:s8] =	dma.local @!p0 [hbm:s6], $0xF7A  }
0x23: {  	s9 =	sor.u32 $0xD0000000, s2;
	s6 =	simm.s32 $0x108;
	_ =	swait.ge @!p0 [sflag:s8], $0x0  }
0x24: {  	s3 =	sadd.s32 $0x88, s3;
	s6 =	simm.s32 @!p1 $0x1082;
	[sflag:s4] =	ssyncset.s32 $0xFFFFF086  }
0x25: {  	[simem:s6], [sflag:s4] =	dma.local [hbm:s3], $0xF7A  }
0x26: {  	[smem:$0x3F9C] =	sst s1;
	(tag) =	ssettag s2;
	_ =	strace s9  }
0x27: {  	s1 =	sld [smem:$0x3FAC]  }
0x28: {  	s2 =	sld [smem:$0x3FAD]  }
0x29: {  	s4 =	sld [smem:$0x3FAF]  }
0x2a: {  	p0 =	seq.s32 s5, $0x0;
	s5 =	sld [smem:$0x3FB0]  }
0x2b: {  	s6 =	sld [smem:$0x3FB1]  }
0x2c: {  	s7 =	sld [smem:$0x3FB2]  }
0x2d: {  	s3 =	simm.s32 $0x108;
	s8 =	sld [smem:$0x3FB3]  }
0x2e: {  	s3 =	simm.s32 @!p0 $0x1082;
	s9 =	sld [smem:$0x3FB4]  }
0x2f: {  	lr =	sadd.s32 s0, s3;
	s0 =	sld [smem:$0x3FAB]  }
0x30: {  	s3 =	sld [smem:$0x3FAE]  }
0x31: {  	[smem:$0x3FB7] =	sst s10  }
0x32: {  	s10 =	sld [smem:$0x3FB5];
	_ =	sdelay $0x3  }
0x33: {  	p0 =	seq.s32 s10, $0x1;
	s10 =	sld [smem:$0x3FB7];
	_ =	sdelay $0x3  }
0x34: {  	[smem:$0x3FB7] =	sst s10  }
0x35: {  	s10 =	sld [smem:$0x3FB6];
	_ =	sdelay $0x3  }
0x36: {  	p1 =	seq.s32 s10, $0x1;
	s10 =	sld [smem:$0x3FB7];
	_ =	sdelay $0x3  }
0x37: {  	[smem:$0x3FB7] =	sst s10  }
0x38: {  	s10 =	sld [smem:$0x3FB8]  }
0x39: {  	_ = 	snop;
	(pc) =	sbr.ind lr, $3  }
0x3a: {  	_ = 	snop  }
0x3b: {  	_ = 	snop  }
0x3c: {  	p2 =	seq.s32 s10, $0x1;
	s10 =	sld [smem:$0x3FB7]  }
0x3d: {  	_ =	shalt  }
0x3e: {  	_ =	shalt  }
0x3f: {  	_ =	shalt  }
0x40: {  	_ =	shalt  }
0x41: {  	_ =	shalt  }
0x42: {  	_ =	shalt  }
0x43: {  	_ =	shalt  }
0x44: {  	_ =	shalt  }
0x45: {  	_ =	shalt  }
0x46: {  	_ =	shalt  }
0x47: {  	_ =	shalt  }
0x48: {  	_ =	shalt  }
0x49: {  	_ =	shalt  }
0x4a: {  	_ =	shalt  }
0x4b: {  	_ =	shalt  }
0x4c: {  	_ =	shalt  }
0x4d: {  	_ =	shalt  }
0x4e: {  	_ =	shalt  }
0x4f: {  	_ =	shalt  }
0x50: {  	_ =	shalt  }
0x51: {  	_ =	shalt  }
0x52: {  	_ =	shalt  }
0x53: {  	_ =	shalt  }
0x54: {  	_ =	shalt  }
0x55: {  	_ =	shalt  }
0x56: {  	_ =	shalt  }
0x57: {  	_ =	shalt  }
0x58: {  	_ =	shalt  }
0x59: {  	_ =	shalt  }
0x5a: {  	_ =	shalt  }
0x5b: {  	_ =	shalt  }
0x5c: {  	_ =	shalt  }
0x5d: {  	_ =	shalt  }
0x5e: {  	_ =	shalt  }
0x5f: {  	_ =	shalt  }
0x60: {  	_ =	shalt  }
0x61: {  	_ =	shalt  }
0x62: {  	_ =	shalt  }
0x63: {  	_ =	shalt  }
0x64: {  	_ =	shalt  }
0x65: {  	_ =	shalt  }
0x66: {  	_ =	shalt  }
0x67: {  	_ =	shalt  }
0x68: {  	_ =	shalt  }
0x69: {  	_ =	shalt  }
0x6a: {  	_ =	shalt  }
0x6b: {  	_ =	shalt  }
0x6c: {  	_ =	shalt  }
0x6d: {  	_ =	shalt  }
0x6e: {  	_ =	shalt  }
0x6f: {  	_ =	shalt  }
0x70: {  	_ =	shalt  }
0x71: {  	_ =	shalt  }
0x72: {  	_ =	shalt  }
0x73: {  	_ =	shalt  }
0x74: {  	_ =	shalt  }
0x75: {  	_ =	shalt  }
0x76: {  	_ =	shalt  }
0x77: {  	_ =	shalt  }
0x78: {  	_ =	shalt  }
0x79: {  	_ =	shalt  }
0x7a: {  	_ =	shalt  }
0x7b: {  	_ =	shalt  }
0x7c: {  	_ =	shalt  }
0x7d: {  	_ =	shalt  }
0x7e: {  	_ =	shalt  }
0x7f: {  	_ =	shalt  }
0x80: {  	_ =	shalt  }
0x81: {  	_ =	shalt  }
0x82: {  	_ =	shalt  }
0x83: {  	_ =	shalt  }
0x84: {  	_ =	shalt  }
0x85: {  	_ =	shalt  }
0x86: {  	_ =	shalt  }
0x87: {  	_ =	shalt  }
.Lfunc_end0:
.L_simem_size_0:
called_computation_lowered:
.L_overlay_start_0:
0x88: {  	s2 =	sld [smem:$0x3FD9]  }
0x89: {  	s3 =	sld [smem:$0x3FFE];
	_ =	sdelay $0x1  }
0x8a: {  	s1 =	srdreg.scid  }
0x8b: {  	s0 =	sand.u32 $0x1, s1  }
0x8c: {  	s17 =	sshll.u32 s0, $0xA;
	s2 =	sadd.s32 s3, s2  }
0x8d: {  	s2 =	sadd.s32 s2, s17  }
0x8e: {  	[smem:$0x3FC3] =	sst s2  }
0x8f: {  	_ = 	snop  }
0x90: {  	s2 =	sld [smem:$0x3FC5]  }
0x91: {  	s18 =	sld [smem:$0x3FD0];
	(tm) =	ssettm $0x1  }
0x92: {  	s4 =	sld [smem:$0x3FFB];
	_ =	sdelay $0x3  }
0x93: {  	_ =	strace s4  }
0x94: {  	s4 =	sld [smem:$0x3FFC];
	_ =	sdelay $0x3  }
0x95: {  	_ =	strace s4  }
0x96: {  	s4 =	sld [smem:$0x3FFD];
	_ =	sdelay $0x3  }
0x97: {  	_ =	strace s4  }
0x98: {  	_ =	strace $0x8FFFFFFF  }
0x99: {  	s19 =	sld [smem:$0x3FDB];
	_ =	sdelay $0x1  }
0x9a: {  	s5 =	simm.s32 $_scs_section_size  }
0x9b: {  	s6 =	simm.s32 $_size__tile_overlayer_lowered;
	s7 =	simm.s32 $_tile_overlayer_lowered  }
0x9c: {  	s22 =	simm.s32 $0x1BFF;
	s21 =	sshll.u32 s7, $0x1;
	s4 =	sadd.s32 s5, s19  }
0x9d: {  	s8 =	simm.s32 $0x0;
	s20 =	sshll.u32 s6, $0x1;
	s6 =	sadd.s32 s21, s4  }
0x9e: {  	[timem:s8], [sflag:s22] =	dma.local [hbm:s6], s20  }
0x9f: {  	_ =	swait.ge [sflag:s22], s20  }
0xa0: {  	s5 =	ssub.s32 $0x0, s20;
	[sflag:s22] =	ssyncset.done $0x0  }
0xa1: {  	[sflag:s22] =	ssyncadd.s32 s5;
	_ =	sdelay $0x1  }
0xa2: {  	s23 =	simm.s32 $0x1B8B  }
0xa3: {  	_ =	swait.ge [sflag:s23], $0x1  }
0xa4: {  	[sflag:s23] =	ssyncset.done $0x0  }
0xa5: {  	s25 =	simm.s32 $0x1B8E;
	s24 =	sld [smem:$0x3FFE];
	[sflag:s23] =	ssyncadd.s32 $0xFFFFFFFF  }
0xa6: {  	s26 =	simm.s32 $execute0_lowered;
	[smem:$0x3FD2] =	sst s25  }
0xa7: {  	s6 =	sshll.u32 s26, $0x1;
	_ =	strace $0x80000046;
	[dreg:$0x1] =	wrdreg $0xFFFFFFFF  }
0xa8: {  	s28 =	simm.s32 $_size_execute0_lowered;
	s4 =	sadd.s32 s4, s6;
	[dreg:$0x0] =	wrdreg $0x0  }
0xa9: {  	s6 =	sshll.u32 s28, $0x1;
	[dreg:$0x2] =	wrdreg s4  }
0xaa: {  	[dreg:$0x3] =	wrdreg s6  }
0xab: {  	[dreg:$0x4] =	wrdreg $0xC0  }
0xac: {  	_ =	task [dreg:s8], $0x5FFFF  }
0xad: {  	[dreg:$0x1] =	wrdreg $0xFFFFFFFF  }
0xae: {  	[dreg:$0x0] =	wrdreg $0x60  }
0xaf: {  	[dreg:$0x2] =	wrdreg s24  }
0xb0: {  	[dreg:$0x3] =	wrdreg s2  }
0xb1: {  	[dreg:$0x4] =	wrdreg s18  }
0xb2: {  	[dreg:$0x5] =	wrdreg $0x9  }
0xb3: {  	_ =	task.clear_ibuf [dreg:s8], $0x6FFFF;
	_ =	strace $0x90000046  }
0xb4: {  	s29 =	simm.s32 $0x9;
	_ =	strace $0x80000048  }
0xb5: {  	_ =	swait.ge [sflag:s29], $0x1  }
0xb6: {  	[sflag:s29] =	ssyncadd.s32 $0xFFFFFFFF  }
0xb7: {  	_ =	strace $0x90000048  }
0xb8: {  	_ =	sfence  }
0xb9: {  	s30 =	sld [smem:$0x0];
	_ =	sdelay $0x2  }
0xba: {  	s31 =	sshll.u32 s1, $0xD;
	s1 =	sshrl.u32 s1, $0x2  }
0xbb: {  	s3 =	sand.u32 $0x4000, s31;
	s1 =	sadd.s32 s1, s30  }
0xbc: {  	s0 =	sor.u32 s3, s0;
	s1 =	sshll.u32 s1, $0x11  }
0xbd: {  	s0 =	sor.u32 s1, s0  }
0xbe: {  	s0 =	sadd.s32 $0x8F2B, s0  }
0xbf: {  	[sflag:s0] =	ssyncadd.remote.s32 $0x1  }
0xc0: {  	_ =	sfence.sel $0xFFFF  }
0xc1: {  	[dreg:$0x0] =	wrdreg $0xFFFFFFFF;
	(pc) =	sbr.abs _section_cstart, $3  }
0xc2: {  	[dreg:$0x1] =	wrdreg $0xFFFFFFFF  }
0xc3: {  	_ =	task.clear_ibuf [dreg:s8], $0x2FFFF;
	_ =	strace $0x9FFFFFFF  }
0xc4: {  	(tm) =	ssettm $0x7FFFFFFF  }
0xc5: {  	_ =	shalt  }
tec
execute0_lowered:
.L_overlay_start_1:
0x0: {  	(tag) =	ssettag $0x1  }
0x1: {  	v0 =	vimm.s32 $0xFEA540;
	v1 =	vimm.s32 $0x77766655;
	vm0 =	vcmask $0x2F00  }
0x2: {  	vm12 =	vcmask $0x3B30;
	v2 =	vimm.s32 $0x24924924;
	v3 =	vimm.s32 $0xDCCCBBBA  }
0x3: {  	vm13 =	vcmask $0x1F00;
	v4 =	vimm.s32 $0x9080808;
	v1 =	vunpack.c.l.s4.s8 v1  }
0x4: {  	vm1 =	vcmask $0x2F20;
	v5 =	vimm.s32 $0x49249249;
	v6 =	vimm.s32 $0xE0E0D0D  }
0x5: {  	vm14 =	vcmask $0x3730;
	vm15 =	vcmask $0x3330;
	v1 =	vunpack.c.0.s8.s32 v1  }
0x6: {  	s3 =	rddreg [dreg:$0x0];
	v0 =	vunpack.c.l.s2.s4 v0;
	v3 =	vunpack.c.l.s4.s8 v3;
	v2 =	vunpack.c.l.s2.s4 v2  }
0x7: {  	s0 =	srdreg.scid;
	s5 =	rddreg [dreg:$0x1];
	v4 =	vunpack.c.0.s8.s32 v4;
	v5 =	vunpack.c.l.s2.s4 v5;
	v1 =	vand.u32 $0xF, v1  }
0x8: {  	s6 =	rddreg [dreg:$0x2];
	s4 =	sand.u32 $0x1, s0;
	v0 =	vunpack.c.l.s4.s8 v0;
	v3 =	vunpack.c.0.s8.s32 v3;
	v1 =	vnsel vm13, $0xA, v1  }
0x9: {  	s2 =	simm.s32 $0x0;
	s0 =	stileid.u32;
	s1 =	sshll.u32 s4, $0x4;
	v5 =	vunpack.c.l.s4.s8 v5;
	v4 =	vsel vm1, v4, v1;
	v1 =	vimm.s32 $0x92492492  }
0xa: {  	s10 =	simm.s32 $0x1980;
	s11 =	simm.s32 $0x3;
	s7 =	sor.u32 s0, s1;
	v0 =	vunpack.c.0.s8.s32 v0;
	v3 =	vand.u32 $0xF, v3;
	v7 =	vunpack.c.l.s2.s4 v1  }
0xb: {  	s12 =	simm.s32 $0x0;
	[smem:$0x7FF] =	sst s2;
	v8 =	vunpack.c.l.s4.s8 v2;
	s8 =	smul.u32 $0x258, s7;
	v5 =	vunpack.c.0.s8.s32 v5;
	v2 =	vnsel vm13, $0xF, v3  }
0xc: {  	s4 =	ssub.s32 $0x2, s4;
	s1 =	rddreg [dreg:$0x3];
	s9 =	smul.u32 $0xC8, s7;
	v3 =	vunpack.c.0.s8.s32 v6;
	v0 =	vand.u32 $0x3, v0;
	v6 =	vunpack.c.l.s4.s8 v7  }
0xd: {  	s31 =	sshrl.u32 s4, $0x1;
	_ =	strace $0x80000047;
	s7 =	smul.u32 $0x96, s7;
	v5 =	vand.u32 $0x3, v5;
	v0 =	vnsel vm0, $0x5, v0;
	v1 =	vimm.f32 $0.0e+00  }
0xe: {  	s3 =	sadd.s32 s8, s3;
	s8 =	ssub.s32 s4, s31;
	s4 =	sadd.s32 s5, s9;
	v7 =	vsel vm1, v3, v2;
	v3 =	vunpack.c.0.s8.s32 v8;
	v8 =	vunpack.c.0.s8.s32 v6  }
0xf: {  	s5 =	sadd.s32 s6, s7;
	s7 =	simm.s32 $0x1300;
	s9 =	simm.s32 $0x1;
	v4 =	vsel vm14, $0x9, v4;
	v0 =	vsel vm12, $0x4, v0;
	v2 =	vimm.s32 $0x0  }
0x10: {  	s3 =	sadd.s32 $0xA00, s3;
	s6 =	smax.u32 s8, $0x1;
	s8 =	simm.s32 $0x2;
	v3 =	vand.u32 $0x3, v3;
	v6 =	vsel vm15, $0xE, v7;
	v7 =	vand.u32 $0x3, v8  }
.LBB2_1:
0x11: {  	[tilespmem:s2], [sflag:$0x1] =	stream.linear.gather [hbm4b:s3+s2], $0x12C0, $0x38;
	[tilespmem:$0x1E80] =	vst v63  }
0x12: {  	s13 =	simm.s32 $0x40;
	s14 =	simm.s32 $0x0  }
0x13: {  	[tilespmem:s7], [sflag:$0x2] =	stream.linear.gather [hbm4b:s4+s2], $0x640, $0x38;
	[tilespmem:$0x1E80] =	vst v63  }
.LBB2_2:
0x14: {  	p0 =	sne.s32 s13, $0x1280;
	[tilespmem:s14+$0x1980] =	vst v1;
	s14 =	smov.u32 s13;
	s13 =	sadd.s32 $0x40, s13  }
.Ltmp0:
0x15: {  	(pc) =	sbr.rel @p0 .LBB2_2-.Ltmp0, $2  }
0x16: {  	_ =	sdelay $0x2  }
0x17: {  	s14 =	sshra.s32 s14, $0x2  }
0x18: {  	[tilespmem:s14+$0x1980] =	vst v1  }
0x19: {  	_ =	swait.ge [sflag:s8], $0x640  }
0x1a: {  	[sflag:s8] =	ssyncset.done $0x0  }
0x1b: {  	[sflag:s8] =	ssyncadd.s32 $0xFFFFF9C0  }
0x1c: {  	_ =	swait.ge [sflag:s9], $0x12C0  }
0x1d: {  	[sflag:s9] =	ssyncset.done $0x0  }
0x1e: {  	s13 =	simm.s32 $0x0;
	s14 =	simm.s32 $0x20;
	[sflag:s9] =	ssyncadd.s32 $0xFFFFED40  }
.LBB2_4:
0x1f: {  	v8 =	vor.u32 s13, v0;
	_ =	sdelay $0x1  }
0x20: {  	v9 =	vmul.u32 $0xC28F5C29, v8;
	_ =	sdelay $0x1  }
0x21: {  	v10 =	vshll.u32 v9, $0x1C;
	v9 =	vshrl.u32 v9, $0x4  }
0x22: {  	v11 =	vmov s13;
	v9 =	vor.u32 v10, v9;
	v8 =	vld.idx.msk [tilespmem:v8+s7+$0x0], $0xffff  }
0x23: {  	v57 =	vmulhi.u32 $0x51EB851F, v11;
	vm0 =	veq.s32 v11, v0;
	vm1 =	vgt.u32 v9, $0xA3D70A  }
0x24: {  	vm0 =	vmand vm0, vm1  }
0x25: {  	v58 =	vshrl.u32 v57, $0x7;
	v59 =	vsel vm0, $0xFFFFFFFF, v2  }
0x26: {  	v10 =	vadd.s32 v59, v58  }
0x27: {  	v10 =	vmul.u32 $0x12C, v10;
	v8 =	vmul.u32 $0x3, v8;
	_ =	sdelay $0x1  }
0x28: {  	v8 =	vadd.s32 v10, v8  }
0x29: {  	v60 =	vld [tilespmem:s14+$0xFFFFFFE0];
	v8 =	vadd.s32 v3, v8  }
0x2a: {  	v61 =	vor.u32 s13, v4;
	_ =	sdelay $0x3  }
0x2b: {  	[tilespmem:v8+s10+$0x0] =	vst.idx.add.f32.msk $0xffff, v60  }
0x2c: {  	v8 =	vld.idx.msk [tilespmem:v61+s7+$0x0], $0xffff;
	_ =	sdelay $0x4  }
0x2d: {  	v9 =	vmul.u32 $0x12C, v58;
	v8 =	vmul.u32 $0x3, v8;
	_ =	sdelay $0x1  }
0x2e: {  	v8 =	vadd.s32 v9, v8  }
0x2f: {  	v10 =	vld [tilespmem:s14+$0xFFFFFFF0];
	v8 =	vadd.s32 v5, v8  }
0x30: {  	v62 =	vor.u32 s13, v6;
	_ =	sdelay $0x3  }
0x31: {  	[tilespmem:v8+s10+$0x0] =	vst.idx.add.f32.msk $0xffff, v10  }
0x32: {  	v8 =	vld.idx.msk [tilespmem:v62+s7+$0x0], $0xffff;
	_ =	sdelay $0x4  }
0x33: {  	v8 =	vmul.u32 $0x3, v8;
	_ =	sdelay $0x1  }
0x34: {  	v8 =	vadd.s32 v9, v8  }
0x35: {  	p0 =	sne.s32 s13, $0x630;
	v63 =	vld [tilespmem:s14+$0x0];
	v8 =	vadd.s32 v7, v8  }
.Ltmp1:
0x36: {  	_ = 	snop;
	(pc) =	sbr.rel @p0 .LBB2_4-.Ltmp1, $2  }
0x37: {  	_ =	sdelay $0x2  }
0x38: {  	s13 =	sadd.s32 $0x10, s13;
	s14 =	sadd.s32 $0x30, s14;
	[tilespmem:v8+s10+$0x0] =	vst.idx.add.f32.msk $0xffff, v63  }
0x39: {  	s12 =	sadd.s32 $0x1, s12  }
0x3a: {  	p0 =	sne.s32 s12, s6  }
.Ltmp2:
0x3b: {  	_ = 	snop;
	(pc) =	sbr.rel @p0 .LBB2_1-.Ltmp2, $4  }
0x3c: {  	[hbm4b:s5+s2] =	stream.linear.scatter [tilespmem:s10], [sflag:$0x3], $0x4B0, $0x38;
	[tilespmem:$0x1E80] =	vst v63  }
0x3d: {  	_ =	swait.ge [sflag:s11], $0x4B0  }
0x3e: {  	[sflag:s11] =	ssyncset.done $0x0  }
0x3f: {  	[sflag:s11] =	ssyncadd.s32 $0xFFFFFB50  }
0x40: {  	_ =	sfence.sel $0x180000  }
0x41: {  	[bflag:$0x0] =	sbarrier.arrive $0xFFFF  }
0x42: {  	p0 =	sne.s32 s0, $0x0;
	_ =	strace $0x90000047  }
0x43: {  	s0 =	sadd.s32 @!p0 $0x100000, s1;
	[bflag:$0x2] =	sbarrier.arrive $0xFFFF  }
0x44: {  	[sflag:s0] =	ssyncadd.tile.s32 @!p0 $0x1;
	_ =	shalt  }
.Lfunc_end2:
_tile_overlayer_lowered:
.L_overlay_start_2:
0x45: {  	(tag) =	ssettag $0x2  }
0x46: {  	s0 =	rddreg [dreg:$0x0];
	s2 =	stileid.u32  }
0x47: {  	s1 =	rddreg [dreg:$0x1];
	p0 =	sne.s32 s2, $0x0  }
0x48: {  	s3 =	rddreg [dreg:$0x2];
	[bflag:$0x3] =	sbarrier.arrive $0xFFFF;
	s2 =	simm.s32 @!p0 $0x1C03  }
0x49: {  	[timem:s3], [sflag:s2] =	dma.local @!p0 [hbm:s0], s1  }
0x4a: {  	s0 =	simm.s32 @!p0 $0x3  }
0x4b: {  	_ =	swait.ge @!p0 [sflag:s0], s1  }
0x4c: {  	s1 =	ssub.s32 @!p0 $0x0, s1;
	[sflag:s0] =	ssyncset.done @!p0 $0x0  }
0x4d: {  	[sflag:s0] =	ssyncadd.s32 @!p0 s1  }
0x4e: {  	[bflag:$0x3] =	sbarrier.arrive $0xFFFF  }
0x4f: {  	_ =	shalt  }

</sc_bundles>
